<compile_context>
chip_gen: v7x
topology: tpu7x:2x2x1
jax: 0.10.2.dev20260603
libtpu: 0.0.44.dev20260713+nightly
codegen_flags: <defaults>
</compile_context>

<pallas_src>
import jax
import jax.numpy as jnp
from jax import lax
from jax.experimental import pallas as pl
from jax.experimental.pallas import tpu as pltpu
from jax.experimental.pallas import tpu_sc as plsc

B = 16
N = 1000
E = 32000
D = 128
BE = B * E


TILE = 16000
NPROG = BE // TILE
TPG = E // TILE


def _mlp_body(x_ref, w0_ref, b0_ref, w1_ref, b1_ref, wout_ref,
              bout_ref, val_ref):
    bf = jnp.bfloat16
    w0 = w0_ref[...].astype(bf)
    w1 = w1_ref[...].astype(bf)

    def head(x):
        a1 = lax.dot_general(x, w0, (((1,), (1,)), ((), ())),
                             preferred_element_type=jnp.float32) + b0_ref[...]
        h1 = a1.astype(bf)
        h1 = h1 * lax.logistic(h1)
        a2 = lax.dot_general(h1, w1, (((1,), (1,)), ((), ())),
                             preferred_element_type=jnp.float32) + b1_ref[...]
        h2 = a2.astype(bf)
        h = (h2 * lax.logistic(h2)).astype(jnp.float32)
        return lax.dot_general(wout_ref[...], h, (((1,), (1,)), ((), ())),
                               preferred_element_type=jnp.float32)

    x = x_ref[...].astype(bf)
    v = head(x) + bout_ref[...]
    val_ref[0] = lax.logistic(v) * 5.0


def _run_mlp(edge_attr, W0, b0, W1, b1, Wout, bout):
    return pl.pallas_call(
        _mlp_body,
        grid=(NPROG,),
        in_specs=[
            pl.BlockSpec((TILE, D), lambda t: (t, 0)),
            pl.BlockSpec((D, D), lambda t: (0, 0)),
            pl.BlockSpec((D,), lambda t: (0,)),
            pl.BlockSpec((D, D), lambda t: (0, 0)),
            pl.BlockSpec((D,), lambda t: (0,)),
            pl.BlockSpec((1, D), lambda t: (0, 0)),
            pl.BlockSpec((1,), lambda t: (0,)),
        ],
        out_specs=pl.BlockSpec((1, 1, TILE), lambda t: (t, 0, 0)),
        out_shape=jax.ShapeDtypeStruct((NPROG, 1, TILE), jnp.float32),
    )(edge_attr, W0, b0, W1, b1, Wout, bout)



NC = 2
NS = 16
GPC = B // NC
GRT = 64
LROWS = N - 15 * GRT
CH = 4000
NCH = E // CH


def _sc_body(row_hbm, col_hbm, vals_hbm, zeros_hbm, out_hbm,
             grid, ib0, ib1, jb0, jb1, vb0, vb1, sem0, sem1, wsem):
    c = lax.axis_index("c")
    s = lax.axis_index("s")
    row_lo = s * GRT
    nrows = jnp.where(s < 15, GRT, LROWS).astype(jnp.uint32)
    ibufs, jbufs, vbufs = (ib0, ib1), (jb0, jb1), (vb0, vb1)
    sems = (sem0, sem1)

    def round_body(k, _):
        g = c * GPC + k
        ebase = pl.multiple_of(g * E, 8)
        ro = pl.multiple_of(g * N + s * GRT, 8)

        def fire(ch, slot):
            off = pl.multiple_of(ebase + ch * CH, 8)
            pltpu.async_copy(row_hbm.at[pl.ds(off, CH)], ibufs[slot],
                             sems[slot])
            pltpu.async_copy(col_hbm.at[pl.ds(off, CH)], jbufs[slot],
                             sems[slot])
            pltpu.async_copy(vals_hbm.at[pl.ds(off, CH)], vbufs[slot],
                             sems[slot])

        def waitc(slot):
            pltpu.make_async_copy(
                row_hbm.at[pl.ds(ebase, CH)], ibufs[slot], sems[slot]).wait()
            pltpu.make_async_copy(
                col_hbm.at[pl.ds(ebase, CH)], jbufs[slot], sems[slot]).wait()
            pltpu.make_async_copy(
                vals_hbm.at[pl.ds(ebase, CH)], vbufs[slot], sems[slot]).wait()

        fire(0, 0)
        @pl.when(s < 15)
        def _():
            @pl.when(k > 0)
            def _():
                pltpu.make_async_copy(
                    grid, out_hbm.at[pl.ds(ro, GRT)], wsem).wait()
            pltpu.sync_copy(zeros_hbm, grid)
        @pl.when(s == 15)
        def _():
            @pl.when(k > 0)
            def _():
                pltpu.make_async_copy(
                    grid.at[pl.ds(0, LROWS)],
                    out_hbm.at[pl.ds(ro, LROWS)], wsem).wait()
            pltpu.sync_copy(zeros_hbm.at[pl.ds(0, LROWS)],
                            grid.at[pl.ds(0, LROWS)])

        for ch in range(NCH):
            slot = ch % 2
            waitc(slot)
            if ch + 1 < NCH:
                fire(ch + 1, 1 - slot)

            def grp(q, _, slot=slot):
                for u in range(2):
                    iv = ibufs[slot][pl.ds(q * 32 + u * 16, 16)]
                    jv = jbufs[slot][pl.ds(q * 32 + u * 16, 16)]
                    vv = vbufs[slot][pl.ds(q * 32 + u * 16, 16)]
                    ri = iv - row_lo
                    m = plsc.bitcast(ri, jnp.uint32) < nrows
                    plsc.store_scatter(grid, [ri, jv], vv, mask=m)
                return 0
            lax.fori_loop(0, CH // 32, grp, 0)

        @pl.when(s < 15)
        def _():
            pltpu.async_copy(grid, out_hbm.at[pl.ds(ro, GRT)], wsem)
        @pl.when(s == 15)
        def _():
            pltpu.async_copy(grid.at[pl.ds(0, LROWS)],
                             out_hbm.at[pl.ds(ro, LROWS)], wsem)
        return 0

    lax.fori_loop(0, GPC, round_body, 0)

    rolast = pl.multiple_of((c * GPC + GPC - 1) * N + s * GRT, 8)
    @pl.when(s < 15)
    def _():
        pltpu.make_async_copy(grid, out_hbm.at[pl.ds(rolast, GRT)],
                              wsem).wait()
    @pl.when(s == 15)
    def _():
        pltpu.make_async_copy(grid.at[pl.ds(0, LROWS)],
                              out_hbm.at[pl.ds(rolast, LROWS)], wsem).wait()


def _run_scatter(rows1, cols1, vals1, zeros_w):
    mesh = plsc.VectorSubcoreMesh(core_axis_name="c", subcore_axis_name="s")
    kern = pl.kernel(
        _sc_body,
        out_type=jax.ShapeDtypeStruct((B * N, N), jnp.float32),
        mesh=mesh,
        compiler_params=pltpu.CompilerParams(needs_layout_passes=False),
        scratch_types=[
            pltpu.VMEM((GRT, N), jnp.float32),
            pltpu.VMEM((CH,), jnp.int32),
            pltpu.VMEM((CH,), jnp.int32),
            pltpu.VMEM((CH,), jnp.int32),
            pltpu.VMEM((CH,), jnp.int32),
            pltpu.VMEM((CH,), jnp.float32),
            pltpu.VMEM((CH,), jnp.float32),
            pltpu.SemaphoreType.DMA,
            pltpu.SemaphoreType.DMA,
            pltpu.SemaphoreType.DMA,
        ],
    )
    return kern(rows1, cols1, vals1, zeros_w)




def _sym_body(a_ref, o_ref):
    x = a_ref[...]
    o_ref[0] = x + x.T


def _run_sym(S2):
    return pl.pallas_call(
        _sym_body,
        grid=(B,),
        in_specs=[pl.BlockSpec((N, N), lambda b: (b, 0))],
        out_specs=pl.BlockSpec((1, N, N), lambda b: (b, 0, 0)),
        out_shape=jax.ShapeDtypeStruct((B, N, N), jnp.float32),
    )(S2)



@jax.jit
def kernel(edge_attr, edge_index, W0, b0, W1, b1, Wout, bout):
    vals = _run_mlp(edge_attr, W0, b0, W1, b1, Wout, bout)
    rows1 = edge_index[:, 0, :].reshape(BE)
    cols1 = edge_index[:, 1, :].reshape(BE)
    zeros_w = jnp.zeros((GRT, N), jnp.float32)
    S = _run_scatter(rows1, cols1, vals.reshape(BE), zeros_w)
    return _run_sym(S)

# --- scband reference (transcript-rebuilt; emitter-appended) ---
"""Pipeline reference for scband-edge-heatmap-generator-6167573037181 (READ-ONLY COPY).

The authoritative reference and input builder live on the scoring server;
editing this copy changes nothing except your own understanding.
"""

import jax, jax.numpy as jnp
import numpy as np

B = 16
N = 1000
E = 32000
D = 128

def setup_inputs(seed: int = 0) -> dict:
    key = jax.random.key(seed)
    ks = jax.random.split(key, 8)
    edge_attr = jax.random.normal(ks[0], (B * E, D), dtype=jnp.float32)
    edge_index = jax.random.randint(ks[1], (B, 2, E), 0, N)
    W0 = jax.random.normal(ks[2], (D, D), dtype=jnp.float32) * 0.05
    b0 = jnp.zeros((D,), dtype=jnp.float32)
    W1 = jax.random.normal(ks[3], (D, D), dtype=jnp.float32) * 0.05
    b1 = jnp.zeros((D,), dtype=jnp.float32)
    Wout = jax.random.normal(ks[4], (1, D), dtype=jnp.float32) * 0.05
    bout = jnp.zeros((1,), dtype=jnp.float32)
    return {"edge_attr": edge_attr, "edge_index": edge_index, "W0": W0, "b0": b0, "W1": W1, "b1": b1, "Wout": Wout, "bout": bout}

def reference(edge_attr, edge_index, W0, b0, W1, b1, Wout, bout):
    # MLP over edge embeddings (num_layers=3 -> 2 hidden silu linears + output)
    h = jax.nn.silu(edge_attr @ W0.T + b0)
    h = jax.nn.silu(h @ W1.T + b1)
    vals = jax.nn.sigmoid(h @ Wout.T + bout) * 10.0  # [B*E, 1]
    vals = vals.reshape(B, E)
    # scatter edge values into dense per-graph heatmaps (overwrite semantics)
    bidx = jnp.broadcast_to(jnp.arange(B)[:, None], (B, E))
    heat = jnp.zeros((B, N, N), dtype=vals.dtype)
    heat = heat.at[bidx, edge_index[:, 0, :], edge_index[:, 1, :]].set(vals)
    # symmetrize for undirected graphs
    heat = (heat + heat.transpose(0, 2, 1)) * 0.5
    return heat

if __name__ == "__main__":
    import jax
    _d = setup_inputs()
    print(jax.jit(kernel)(*tuple(_d.values())))

</pallas_src>

<mosaic_0001>
#map = affine_map<(d0, d1) -> (0)>
#map1 = affine_map<(d0, d1) -> (0, 0)>
module attributes {stable_mosaic.version = 14 : i64} {
  func.func @_sc_body(%arg0: i32, %arg1: i32, %arg2: memref<512000xi32, #tpu.memory_space<hbm>>, %arg3: memref<512000xi32, #tpu.memory_space<hbm>>, %arg4: memref<512000xf32, #tpu.memory_space<hbm>>, %arg5: memref<64x1000xf32, #tpu.memory_space<hbm>>, %arg6: memref<16000x1000xf32, #tpu.memory_space<hbm>>, %arg7: memref<64x1000xf32, #tpu.memory_space<vmem>>, %arg8: memref<4000xi32, #tpu.memory_space<vmem>>, %arg9: memref<4000xi32, #tpu.memory_space<vmem>>, %arg10: memref<4000xi32, #tpu.memory_space<vmem>>, %arg11: memref<4000xi32, #tpu.memory_space<vmem>>, %arg12: memref<4000xf32, #tpu.memory_space<vmem>>, %arg13: memref<4000xf32, #tpu.memory_space<vmem>>, %arg14: memref<!tpu.dma_semaphore, #tpu.memory_space<semaphore_mem>>, %arg15: memref<!tpu.dma_semaphore, #tpu.memory_space<semaphore_mem>>, %arg16: memref<!tpu.dma_semaphore, #tpu.memory_space<semaphore_mem>>) attributes {dimension_semantics = [#tpu.dimension_semantics<core_parallel>, #tpu.dimension_semantics<subcore_parallel>], iteration_bounds = array<i64: 2, 16>, scalar_prefetch = 0 : i64, scratch_operands = 10 : i64, tpu.core_type = #tpu.core_type<sc_vector_subcore>, window_params = [{transform_indices = #map}, {transform_indices = #map}, {transform_indices = #map}, {transform_indices = #map1}, {transform_indices = #map1}]} {
    %mul3A = arith.constant 64 : i32
    %mul3A_0 = arith.muli %arg1, %mul3A : i32
    %lt3A = arith.constant 15 : i32
    %lt3A_1 = arith.cmpi slt, %arg1, %lt3A : i32
    %jit3A = arith.constant 64 : i32
    %jit3A_2 = arith.constant 40 : i32
    %select_n3A = arith.select %lt3A_1, %jit3A, %jit3A_2 : i32
    %scan3A = arith.constant 0 : i32
    %scan3A_3 = arith.constant 0 : i32
    %scan3A_4 = arith.constant 8 : i32
    %scan3A_5 = arith.addi %scan3A_3, %scan3A_4 : i32
    %scan3A_6 = arith.constant 1 : i32
    %scan3A_7 = scf.for %scan3A_25 = %scan3A_3 to %scan3A_5 step %scan3A_6 iter_args(%scan3A_26 = %scan3A) -> (i32)  : i32 {
      %mul3A_27 = arith.constant 8 : i32
      %mul3A_28 = arith.muli %arg0, %mul3A_27 : i32
      %add3A_29 = arith.addi %mul3A_28, %scan3A_25 : i32
      %mul3A_30 = arith.constant 32000 : i32
      %mul3A_31 = arith.muli %add3A_29, %mul3A_30 : i32
      %multiple_of3A_32 = tpu.assume_multiple %mul3A_31, 8 : i32
      %mul3A_33 = arith.constant 1000 : i32
      %mul3A_34 = arith.muli %add3A_29, %mul3A_33 : i32
      %mul3A_35 = arith.constant 64 : i32
      %mul3A_36 = arith.muli %arg1, %mul3A_35 : i32
      %add3A_37 = arith.addi %mul3A_34, %mul3A_36 : i32
      %multiple_of3A_38 = tpu.assume_multiple %add3A_37, 8 : i32
      %add3A_39 = arith.constant 0 : i32
      %add3A_40 = arith.addi %multiple_of3A_32, %add3A_39 : i32
      %multiple_of3A_41 = tpu.assume_multiple %add3A_40, 8 : i32
      %dma_start3A = tpu.memref_slice %arg2[%multiple_of3A_41] : memref<512000xi32, #tpu.memory_space<hbm>> -> memref<4000xi32, #tpu.memory_space<hbm>>
      %dma_start3A_42 = tpu.memref_slice %arg2[%multiple_of3A_41] : memref<512000xi32, #tpu.memory_space<hbm>> -> memref<4000xi32, #tpu.memory_space<hbm>>
      tpu.enqueue_dma source(%dma_start3A_42 : memref<4000xi32, #tpu.memory_space<hbm>>) target(%arg8 : memref<4000xi32, #tpu.memory_space<vmem>>) target_semaphore(%arg14 : memref<!tpu.dma_semaphore, #tpu.memory_space<semaphore_mem>>)
      %dma_start3A_43 = tpu.memref_slice %arg3[%multiple_of3A_41] : memref<512000xi32, #tpu.memory_space<hbm>> -> memref<4000xi32, #tpu.memory_space<hbm>>
      %dma_start3A_44 = tpu.memref_slice %arg3[%multiple_of3A_41] : memref<512000xi32, #tpu.memory_space<hbm>> -> memref<4000xi32, #tpu.memory_space<hbm>>
      tpu.enqueue_dma source(%dma_start3A_44 : memref<4000xi32, #tpu.memory_space<hbm>>) target(%arg10 : memref<4000xi32, #tpu.memory_space<vmem>>) target_semaphore(%arg14 : memref<!tpu.dma_semaphore, #tpu.memory_space<semaphore_mem>>)
      %dma_start3A_45 = tpu.memref_slice %arg4[%multiple_of3A_41] : memref<512000xf32, #tpu.memory_space<hbm>> -> memref<4000xf32, #tpu.memory_space<hbm>>
      %dma_start3A_46 = tpu.memref_slice %arg4[%multiple_of3A_41] : memref<512000xf32, #tpu.memory_space<hbm>> -> memref<4000xf32, #tpu.memory_space<hbm>>
      tpu.enqueue_dma source(%dma_start3A_46 : memref<4000xf32, #tpu.memory_space<hbm>>) target(%arg12 : memref<4000xf32, #tpu.memory_space<vmem>>) target_semaphore(%arg14 : memref<!tpu.dma_semaphore, #tpu.memory_space<semaphore_mem>>)
      %lt3A_47 = arith.constant 15 : i32
      %lt3A_48 = arith.cmpi slt, %arg1, %lt3A_47 : i32
      %convert_element_type3A_49 = arith.extui %lt3A_48 : i1 to i32
      %cond3A_50 = arith.constant 0 : i32
      %cond3A_51 = arith.cmpi ne, %convert_element_type3A_49, %cond3A_50 : i32
      scf.if %cond3A_51 {
        %gt3A = arith.constant 0 : i32
        %gt3A_234 = arith.cmpi sgt, %scan3A_25, %gt3A : i32
        %convert_element_type3A_235 = arith.extui %gt3A_234 : i1 to i32
        %cond3A_236 = arith.constant 0 : i32
        %cond3A_237 = arith.cmpi ne, %convert_element_type3A_235, %cond3A_236 : i32
        scf.if %cond3A_237 {
          %dma_wait3A_238 = arith.constant 0 : i32
          %dma_wait3A_239 = tpu.memref_slice %arg6[%multiple_of3A_38, %dma_wait3A_238] : memref<16000x1000xf32, #tpu.memory_space<hbm>> -> memref<64x1000xf32, #tpu.memory_space<hbm>>
          %dma_wait3A_240 = arith.constant 0 : i32
          %dma_wait3A_241 = tpu.memref_slice %arg6[%multiple_of3A_38, %dma_wait3A_240] : memref<16000x1000xf32, #tpu.memory_space<hbm>> -> memref<64x1000xf32, #tpu.memory_space<hbm>>
          tpu.wait_dma2 semaphore(%arg16 : memref<!tpu.dma_semaphore, #tpu.memory_space<semaphore_mem>>) src(%arg7 : memref<64x1000xf32, #tpu.memory_space<vmem>>) dst(%dma_wait3A_241 : memref<64x1000xf32, #tpu.memory_space<hbm>>)
        } else {
        }
        "tpu.region"() ({
          %run_scoped3A = tpu.sem_alloc : memref<!tpu.dma_semaphore, #tpu.memory_space<semaphore_mem>>
          tpu.enqueue_dma source(%arg5 : memref<64x1000xf32, #tpu.memory_space<hbm>>) target(%arg7 : memref<64x1000xf32, #tpu.memory_space<vmem>>) target_semaphore(%run_scoped3A : memref<!tpu.dma_semaphore, #tpu.memory_space<semaphore_mem>>)
          tpu.wait_dma2 semaphore(%run_scoped3A : memref<!tpu.dma_semaphore, #tpu.memory_space<semaphore_mem>>) src(%arg5 : memref<64x1000xf32, #tpu.memory_space<hbm>>) dst(%arg7 : memref<64x1000xf32, #tpu.memory_space<vmem>>)
          tpu.yield
        }) : () -> ()
      } else {
      }
      %eq3A_52 = arith.constant 15 : i32
      %eq3A_53 = arith.cmpi eq, %arg1, %eq3A_52 : i32
      %convert_element_type3A_54 = arith.extui %eq3A_53 : i1 to i32
      %cond3A_55 = arith.constant 0 : i32
      %cond3A_56 = arith.cmpi ne, %convert_element_type3A_54, %cond3A_55 : i32
      scf.if %cond3A_56 {
        %gt3A = arith.constant 0 : i32
        %gt3A_234 = arith.cmpi sgt, %scan3A_25, %gt3A : i32
        %convert_element_type3A_235 = arith.extui %gt3A_234 : i1 to i32
        %cond3A_236 = arith.constant 0 : i32
        %cond3A_237 = arith.cmpi ne, %convert_element_type3A_235, %cond3A_236 : i32
        scf.if %cond3A_237 {
          %dma_wait3A_238 = arith.constant 0 : i32
          %dma_wait3A_239 = arith.constant 0 : i32
          %dma_wait3A_240 = tpu.memref_slice %arg7[%dma_wait3A_238, %dma_wait3A_239] : memref<64x1000xf32, #tpu.memory_space<vmem>> -> memref<40x1000xf32, #tpu.memory_space<vmem>>
          %dma_wait3A_241 = arith.constant 0 : i32
          %dma_wait3A_242 = tpu.memref_slice %arg6[%multiple_of3A_38, %dma_wait3A_241] : memref<16000x1000xf32, #tpu.memory_space<hbm>> -> memref<40x1000xf32, #tpu.memory_space<hbm>>
          %dma_wait3A_243 = arith.constant 0 : i32
          %dma_wait3A_244 = tpu.memref_slice %arg6[%multiple_of3A_38, %dma_wait3A_243] : memref<16000x1000xf32, #tpu.memory_space<hbm>> -> memref<40x1000xf32, #tpu.memory_space<hbm>>
          %dma_wait3A_245 = arith.constant 0 : i32
          %dma_wait3A_246 = arith.constant 0 : i32
          %dma_wait3A_247 = tpu.memref_slice %arg7[%dma_wait3A_245, %dma_wait3A_246] : memref<64x1000xf32, #tpu.memory_space<vmem>> -> memref<40x1000xf32, #tpu.memory_space<vmem>>
          tpu.wait_dma2 semaphore(%arg16 : memref<!tpu.dma_semaphore, #tpu.memory_space<semaphore_mem>>) src(%dma_wait3A_247 : memref<40x1000xf32, #tpu.memory_space<vmem>>) dst(%dma_wait3A_244 : memref<40x1000xf32, #tpu.memory_space<hbm>>)
        } else {
        }
        "tpu.region"() ({
          %run_scoped3A = tpu.sem_alloc : memref<!tpu.dma_semaphore, #tpu.memory_space<semaphore_mem>>
          %dma_start3A_238 = arith.constant 0 : i32
          %dma_start3A_239 = arith.constant 0 : i32
          %dma_start3A_240 = tpu.memref_slice %arg7[%dma_start3A_238, %dma_start3A_239] : memref<64x1000xf32, #tpu.memory_space<vmem>> -> memref<40x1000xf32, #tpu.memory_space<vmem>>
          %dma_start3A_241 = arith.constant 0 : i32
          %dma_start3A_242 = arith.constant 0 : i32
          %dma_start3A_243 = tpu.memref_slice %arg5[%dma_start3A_241, %dma_start3A_242] : memref<64x1000xf32, #tpu.memory_space<hbm>> -> memref<40x1000xf32, #tpu.memory_space<hbm>>
          %dma_start3A_244 = arith.constant 0 : i32
          %dma_start3A_245 = arith.constant 0 : i32
          %dma_start3A_246 = tpu.memref_slice %arg7[%dma_start3A_244, %dma_start3A_245] : memref<64x1000xf32, #tpu.memory_space<vmem>> -> memref<40x1000xf32, #tpu.memory_space<vmem>>
          %dma_start3A_247 = arith.constant 0 : i32
          %dma_start3A_248 = arith.constant 0 : i32
          %dma_start3A_249 = tpu.memref_slice %arg5[%dma_start3A_247, %dma_start3A_248] : memref<64x1000xf32, #tpu.memory_space<hbm>> -> memref<40x1000xf32, #tpu.memory_space<hbm>>
          tpu.enqueue_dma source(%dma_start3A_249 : memref<40x1000xf32, #tpu.memory_space<hbm>>) target(%dma_start3A_246 : memref<40x1000xf32, #tpu.memory_space<vmem>>) target_semaphore(%run_scoped3A : memref<!tpu.dma_semaphore, #tpu.memory_space<semaphore_mem>>)
          %dma_wait3A_250 = arith.constant 0 : i32
          %dma_wait3A_251 = arith.constant 0 : i32
          %dma_wait3A_252 = tpu.memref_slice %arg7[%dma_wait3A_250, %dma_wait3A_251] : memref<64x1000xf32, #tpu.memory_space<vmem>> -> memref<40x1000xf32, #tpu.memory_space<vmem>>
          %dma_wait3A_253 = arith.constant 0 : i32
          %dma_wait3A_254 = arith.constant 0 : i32
          %dma_wait3A_255 = tpu.memref_slice %arg5[%dma_wait3A_253, %dma_wait3A_254] : memref<64x1000xf32, #tpu.memory_space<hbm>> -> memref<40x1000xf32, #tpu.memory_space<hbm>>
          %dma_wait3A_256 = arith.constant 0 : i32
          %dma_wait3A_257 = arith.constant 0 : i32
          %dma_wait3A_258 = tpu.memref_slice %arg7[%dma_wait3A_256, %dma_wait3A_257] : memref<64x1000xf32, #tpu.memory_space<vmem>> -> memref<40x1000xf32, #tpu.memory_space<vmem>>
          %dma_wait3A_259 = arith.constant 0 : i32
          %dma_wait3A_260 = arith.constant 0 : i32
          %dma_wait3A_261 = tpu.memref_slice %arg5[%dma_wait3A_259, %dma_wait3A_260] : memref<64x1000xf32, #tpu.memory_space<hbm>> -> memref<40x1000xf32, #tpu.memory_space<hbm>>
          tpu.wait_dma2 semaphore(%run_scoped3A : memref<!tpu.dma_semaphore, #tpu.memory_space<semaphore_mem>>) src(%dma_wait3A_261 : memref<40x1000xf32, #tpu.memory_space<hbm>>) dst(%dma_wait3A_258 : memref<40x1000xf32, #tpu.memory_space<vmem>>)
          tpu.yield
        }) : () -> ()
      } else {
      }
      %dma_wait3A = tpu.memref_slice %arg2[%multiple_of3A_32] : memref<512000xi32, #tpu.memory_space<hbm>> -> memref<4000xi32, #tpu.memory_space<hbm>>
      %dma_wait3A_57 = tpu.memref_slice %arg2[%multiple_of3A_32] : memref<512000xi32, #tpu.memory_space<hbm>> -> memref<4000xi32, #tpu.memory_space<hbm>>
      tpu.wait_dma2 semaphore(%arg14 : memref<!tpu.dma_semaphore, #tpu.memory_space<semaphore_mem>>) src(%dma_wait3A_57 : memref<4000xi32, #tpu.memory_space<hbm>>) dst(%arg8 : memref<4000xi32, #tpu.memory_space<vmem>>)
      %dma_wait3A_58 = tpu.memref_slice %arg3[%multiple_of3A_32] : memref<512000xi32, #tpu.memory_space<hbm>> -> memref<4000xi32, #tpu.memory_space<hbm>>
      %dma_wait3A_59 = tpu.memref_slice %arg3[%multiple_of3A_32] : memref<512000xi32, #tpu.memory_space<hbm>> -> memref<4000xi32, #tpu.memory_space<hbm>>
      tpu.wait_dma2 semaphore(%arg14 : memref<!tpu.dma_semaphore, #tpu.memory_space<semaphore_mem>>) src(%dma_wait3A_59 : memref<4000xi32, #tpu.memory_space<hbm>>) dst(%arg10 : memref<4000xi32, #tpu.memory_space<vmem>>)
      %dma_wait3A_60 = tpu.memref_slice %arg4[%multiple_of3A_32] : memref<512000xf32, #tpu.memory_space<hbm>> -> memref<4000xf32, #tpu.memory_space<hbm>>
      %dma_wait3A_61 = tpu.memref_slice %arg4[%multiple_of3A_32] : memref<512000xf32, #tpu.memory_space<hbm>> -> memref<4000xf32, #tpu.memory_space<hbm>>
      tpu.wait_dma2 semaphore(%arg14 : memref<!tpu.dma_semaphore, #tpu.memory_space<semaphore_mem>>) src(%dma_wait3A_61 : memref<4000xf32, #tpu.memory_space<hbm>>) dst(%arg12 : memref<4000xf32, #tpu.memory_space<vmem>>)
      %add3A_62 = arith.constant 4000 : i32
      %add3A_63 = arith.addi %multiple_of3A_32, %add3A_62 : i32
      %multiple_of3A_64 = tpu.assume_multiple %add3A_63, 8 : i32
      %dma_start3A_65 = tpu.memref_slice %arg2[%multiple_of3A_64] : memref<512000xi32, #tpu.memory_space<hbm>> -> memref<4000xi32, #tpu.memory_space<hbm>>
      %dma_start3A_66 = tpu.memref_slice %arg2[%multiple_of3A_64] : memref<512000xi32, #tpu.memory_space<hbm>> -> memref<4000xi32, #tpu.memory_space<hbm>>
      tpu.enqueue_dma source(%dma_start3A_66 : memref<4000xi32, #tpu.memory_space<hbm>>) target(%arg9 : memref<4000xi32, #tpu.memory_space<vmem>>) target_semaphore(%arg15 : memref<!tpu.dma_semaphore, #tpu.memory_space<semaphore_mem>>)
      %dma_start3A_67 = tpu.memref_slice %arg3[%multiple_of3A_64] : memref<512000xi32, #tpu.memory_space<hbm>> -> memref<4000xi32, #tpu.memory_space<hbm>>
      %dma_start3A_68 = tpu.memref_slice %arg3[%multiple_of3A_64] : memref<512000xi32, #tpu.memory_space<hbm>> -> memref<4000xi32, #tpu.memory_space<hbm>>
      tpu.enqueue_dma source(%dma_start3A_68 : memref<4000xi32, #tpu.memory_space<hbm>>) target(%arg11 : memref<4000xi32, #tpu.memory_space<vmem>>) target_semaphore(%arg15 : memref<!tpu.dma_semaphore, #tpu.memory_space<semaphore_mem>>)
      %dma_start3A_69 = tpu.memref_slice %arg4[%multiple_of3A_64] : memref<512000xf32, #tpu.memory_space<hbm>> -> memref<4000xf32, #tpu.memory_space<hbm>>
      %dma_start3A_70 = tpu.memref_slice %arg4[%multiple_of3A_64] : memref<512000xf32, #tpu.memory_space<hbm>> -> memref<4000xf32, #tpu.memory_space<hbm>>
      tpu.enqueue_dma source(%dma_start3A_70 : memref<4000xf32, #tpu.memory_space<hbm>>) target(%arg13 : memref<4000xf32, #tpu.memory_space<vmem>>) target_semaphore(%arg15 : memref<!tpu.dma_semaphore, #tpu.memory_space<semaphore_mem>>)
      %scan3A_71 = arith.constant 0 : i32
      %scan3A_72 = arith.constant 0 : i32
      %scan3A_73 = arith.constant 125 : i32
      %scan3A_74 = arith.addi %scan3A_72, %scan3A_73 : i32
      %scan3A_75 = arith.constant 1 : i32
      %scan3A_76 = scf.for %scan3A_234 = %scan3A_72 to %scan3A_74 step %scan3A_75 iter_args(%scan3A_235 = %scan3A_71) -> (i32)  : i32 {
        %mul3A_236 = arith.constant 32 : i32
        %mul3A_237 = arith.muli %scan3A_234, %mul3A_236 : i32
        %add3A_238 = arith.constant 0 : i32
        %add3A_239 = arith.addi %mul3A_237, %add3A_238 : i32
        %get3A = arith.index_cast %add3A_239 : i32 to index
        %get3A_240 = tpu.vector_load %arg8[%get3A] {strides = array<i32>} : memref<4000xi32, #tpu.memory_space<vmem>>, vector<16xi32>,
        %mul3A_241 = arith.constant 32 : i32
        %mul3A_242 = arith.muli %scan3A_234, %mul3A_241 : i32
        %add3A_243 = arith.constant 0 : i32
        %add3A_244 = arith.addi %mul3A_242, %add3A_243 : i32
        %get3A_245 = arith.index_cast %add3A_244 : i32 to index
        %get3A_246 = tpu.vector_load %arg10[%get3A_245] {strides = array<i32>} : memref<4000xi32, #tpu.memory_space<vmem>>, vector<16xi32>,
        %mul3A_247 = arith.constant 32 : i32
        %mul3A_248 = arith.muli %scan3A_234, %mul3A_247 : i32
        %add3A_249 = arith.constant 0 : i32
        %add3A_250 = arith.addi %mul3A_248, %add3A_249 : i32
        %get3A_251 = arith.index_cast %add3A_250 : i32 to index
        %get3A_252 = tpu.vector_load %arg12[%get3A_251] {strides = array<i32>} : memref<4000xf32, #tpu.memory_space<vmem>>, vector<16xf32>,
        %sub3A_253 = vector.broadcast %mul3A_0 : i32 to vector<16xi32>
        %sub3A_254 = arith.subi %get3A_240, %sub3A_253 : vector<16xi32>
        %bitcast3A = vector.bitcast %sub3A_254 : vector<16xi32> to vector<16xi32>
        %lt3A_255 = vector.broadcast %select_n3A : i32 to vector<16xi32>
        %lt3A_256 = arith.cmpi ult, %bitcast3A, %lt3A_255 : vector<16xi32>
        tpu.vector_store_idx %arg7[%sub3A_254, %get3A_246], %get3A_252 masked %lt3A_256 : memref<64x1000xf32, #tpu.memory_space<vmem>>[vector<16xi32>, vector<16xi32>], vector<16xf32>, vector<16xi1>
        %mul3A_257 = arith.constant 32 : i32
        %mul3A_258 = arith.muli %scan3A_234, %mul3A_257 : i32
        %add3A_259 = arith.constant 16 : i32
        %add3A_260 = arith.addi %mul3A_258, %add3A_259 : i32
        %get3A_261 = arith.index_cast %add3A_260 : i32 to index
        %get3A_262 = tpu.vector_load %arg8[%get3A_261] {strides = array<i32>} : memref<4000xi32, #tpu.memory_space<vmem>>, vector<16xi32>,
        %mul3A_263 = arith.constant 32 : i32
        %mul3A_264 = arith.muli %scan3A_234, %mul3A_263 : i32
        %add3A_265 = arith.constant 16 : i32
        %add3A_266 = arith.addi %mul3A_264, %add3A_265 : i32
        %get3A_267 = arith.index_cast %add3A_266 : i32 to index
        %get3A_268 = tpu.vector_load %arg10[%get3A_267] {strides = array<i32>} : memref<4000xi32, #tpu.memory_space<vmem>>, vector<16xi32>,
        %mul3A_269 = arith.constant 32 : i32
        %mul3A_270 = arith.muli %scan3A_234, %mul3A_269 : i32
        %add3A_271 = arith.constant 16 : i32
        %add3A_272 = arith.addi %mul3A_270, %add3A_271 : i32
        %get3A_273 = arith.index_cast %add3A_272 : i32 to index
        %get3A_274 = tpu.vector_load %arg12[%get3A_273] {strides = array<i32>} : memref<4000xf32, #tpu.memory_space<vmem>>, vector<16xf32>,
        %sub3A_275 = vector.broadcast %mul3A_0 : i32 to vector<16xi32>
        %sub3A_276 = arith.subi %get3A_262, %sub3A_275 : vector<16xi32>
        %bitcast3A_277 = vector.bitcast %sub3A_276 : vector<16xi32> to vector<16xi32>
        %lt3A_278 = vector.broadcast %select_n3A : i32 to vector<16xi32>
        %lt3A_279 = arith.cmpi ult, %bitcast3A_277, %lt3A_278 : vector<16xi32>
        tpu.vector_store_idx %arg7[%sub3A_276, %get3A_268], %get3A_274 masked %lt3A_279 : memref<64x1000xf32, #tpu.memory_space<vmem>>[vector<16xi32>, vector<16xi32>], vector<16xf32>, vector<16xi1>
        %scan3A_280 = arith.constant 0 : i32
        scf.yield %scan3A_280 : i32
      }
      %scan3A_77 = arith.constant 125 : i32
      %dma_wait3A_78 = tpu.memref_slice %arg2[%multiple_of3A_32] : memref<512000xi32, #tpu.memory_space<hbm>> -> memref<4000xi32, #tpu.memory_space<hbm>>
      %dma_wait3A_79 = tpu.memref_slice %arg2[%multiple_of3A_32] : memref<512000xi32, #tpu.memory_space<hbm>> -> memref<4000xi32, #tpu.memory_space<hbm>>
      tpu.wait_dma2 semaphore(%arg15 : memref<!tpu.dma_semaphore, #tpu.memory_space<semaphore_mem>>) src(%dma_wait3A_79 : memref<4000xi32, #tpu.memory_space<hbm>>) dst(%arg9 : memref<4000xi32, #tpu.memory_space<vmem>>)
      %dma_wait3A_80 = tpu.memref_slice %arg3[%multiple_of3A_32] : memref<512000xi32, #tpu.memory_space<hbm>> -> memref<4000xi32, #tpu.memory_space<hbm>>
      %dma_wait3A_81 = tpu.memref_slice %arg3[%multiple_of3A_32] : memref<512000xi32, #tpu.memory_space<hbm>> -> memref<4000xi32, #tpu.memory_space<hbm>>
      tpu.wait_dma2 semaphore(%arg15 : memref<!tpu.dma_semaphore, #tpu.memory_space<semaphore_mem>>) src(%dma_wait3A_81 : memref<4000xi32, #tpu.memory_space<hbm>>) dst(%arg11 : memref<4000xi32, #tpu.memory_space<vmem>>)
      %dma_wait3A_82 = tpu.memref_slice %arg4[%multiple_of3A_32] : memref<512000xf32, #tpu.memory_space<hbm>> -> memref<4000xf32, #tpu.memory_space<hbm>>
      %dma_wait3A_83 = tpu.memref_slice %arg4[%multiple_of3A_32] : memref<512000xf32, #tpu.memory_space<hbm>> -> memref<4000xf32, #tpu.memory_space<hbm>>
      tpu.wait_dma2 semaphore(%arg15 : memref<!tpu.dma_semaphore, #tpu.memory_space<semaphore_mem>>) src(%dma_wait3A_83 : memref<4000xf32, #tpu.memory_space<hbm>>) dst(%arg13 : memref<4000xf32, #tpu.memory_space<vmem>>)
      %add3A_84 = arith.constant 8000 : i32
      %add3A_85 = arith.addi %multiple_of3A_32, %add3A_84 : i32
      %multiple_of3A_86 = tpu.assume_multiple %add3A_85, 8 : i32
      %dma_start3A_87 = tpu.memref_slice %arg2[%multiple_of3A_86] : memref<512000xi32, #tpu.memory_space<hbm>> -> memref<4000xi32, #tpu.memory_space<hbm>>
      %dma_start3A_88 = tpu.memref_slice %arg2[%multiple_of3A_86] : memref<512000xi32, #tpu.memory_space<hbm>> -> memref<4000xi32, #tpu.memory_space<hbm>>
      tpu.enqueue_dma source(%dma_start3A_88 : memref<4000xi32, #tpu.memory_space<hbm>>) target(%arg8 : memref<4000xi32, #tpu.memory_space<vmem>>) target_semaphore(%arg14 : memref<!tpu.dma_semaphore, #tpu.memory_space<semaphore_mem>>)
      %dma_start3A_89 = tpu.memref_slice %arg3[%multiple_of3A_86] : memref<512000xi32, #tpu.memory_space<hbm>> -> memref<4000xi32, #tpu.memory_space<hbm>>
      %dma_start3A_90 = tpu.memref_slice %arg3[%multiple_of3A_86] : memref<512000xi32, #tpu.memory_space<hbm>> -> memref<4000xi32, #tpu.memory_space<hbm>>
      tpu.enqueue_dma source(%dma_start3A_90 : memref<4000xi32, #tpu.memory_space<hbm>>) target(%arg10 : memref<4000xi32, #tpu.memory_space<vmem>>) target_semaphore(%arg14 : memref<!tpu.dma_semaphore, #tpu.memory_space<semaphore_mem>>)
      %dma_start3A_91 = tpu.memref_slice %arg4[%multiple_of3A_86] : memref<512000xf32, #tpu.memory_space<hbm>> -> memref<4000xf32, #tpu.memory_space<hbm>>
      %dma_start3A_92 = tpu.memref_slice %arg4[%multiple_of3A_86] : memref<512000xf32, #tpu.memory_space<hbm>> -> memref<4000xf32, #tpu.memory_space<hbm>>
      tpu.enqueue_dma source(%dma_start3A_92 : memref<4000xf32, #tpu.memory_space<hbm>>) target(%arg12 : memref<4000xf32, #tpu.memory_space<vmem>>) target_semaphore(%arg14 : memref<!tpu.dma_semaphore, #tpu.memory_space<semaphore_mem>>)
      %scan3A_93 = arith.constant 0 : i32
      %scan3A_94 = arith.constant 0 : i32
      %scan3A_95 = arith.constant 125 : i32
      %scan3A_96 = arith.addi %scan3A_94, %scan3A_95 : i32
      %scan3A_97 = arith.constant 1 : i32
      %scan3A_98 = scf.for %scan3A_234 = %scan3A_94 to %scan3A_96 step %scan3A_97 iter_args(%scan3A_235 = %scan3A_93) -> (i32)  : i32 {
        %mul3A_236 = arith.constant 32 : i32
        %mul3A_237 = arith.muli %scan3A_234, %mul3A_236 : i32
        %add3A_238 = arith.constant 0 : i32
        %add3A_239 = arith.addi %mul3A_237, %add3A_238 : i32
        %get3A = arith.index_cast %add3A_239 : i32 to index
        %get3A_240 = tpu.vector_load %arg9[%get3A] {strides = array<i32>} : memref<4000xi32, #tpu.memory_space<vmem>>, vector<16xi32>,
        %mul3A_241 = arith.constant 32 : i32
        %mul3A_242 = arith.muli %scan3A_234, %mul3A_241 : i32
        %add3A_243 = arith.constant 0 : i32
        %add3A_244 = arith.addi %mul3A_242, %add3A_243 : i32
        %get3A_245 = arith.index_cast %add3A_244 : i32 to index
        %get3A_246 = tpu.vector_load %arg11[%get3A_245] {strides = array<i32>} : memref<4000xi32, #tpu.memory_space<vmem>>, vector<16xi32>,
        %mul3A_247 = arith.constant 32 : i32
        %mul3A_248 = arith.muli %scan3A_234, %mul3A_247 : i32
        %add3A_249 = arith.constant 0 : i32
        %add3A_250 = arith.addi %mul3A_248, %add3A_249 : i32
        %get3A_251 = arith.index_cast %add3A_250 : i32 to index
        %get3A_252 = tpu.vector_load %arg13[%get3A_251] {strides = array<i32>} : memref<4000xf32, #tpu.memory_space<vmem>>, vector<16xf32>,
        %sub3A_253 = vector.broadcast %mul3A_0 : i32 to vector<16xi32>
        %sub3A_254 = arith.subi %get3A_240, %sub3A_253 : vector<16xi32>
        %bitcast3A = vector.bitcast %sub3A_254 : vector<16xi32> to vector<16xi32>
        %lt3A_255 = vector.broadcast %select_n3A : i32 to vector<16xi32>
        %lt3A_256 = arith.cmpi ult, %bitcast3A, %lt3A_255 : vector<16xi32>
        tpu.vector_store_idx %arg7[%sub3A_254, %get3A_246], %get3A_252 masked %lt3A_256 : memref<64x1000xf32, #tpu.memory_space<vmem>>[vector<16xi32>, vector<16xi32>], vector<16xf32>, vector<16xi1>
        %mul3A_257 = arith.constant 32 : i32
        %mul3A_258 = arith.muli %scan3A_234, %mul3A_257 : i32
        %add3A_259 = arith.constant 16 : i32
        %add3A_260 = arith.addi %mul3A_258, %add3A_259 : i32
        %get3A_261 = arith.index_cast %add3A_260 : i32 to index
        %get3A_262 = tpu.vector_load %arg9[%get3A_261] {strides = array<i32>} : memref<4000xi32, #tpu.memory_space<vmem>>, vector<16xi32>,
        %mul3A_263 = arith.constant 32 : i32
        %mul3A_264 = arith.muli %scan3A_234, %mul3A_263 : i32
        %add3A_265 = arith.constant 16 : i32
        %add3A_266 = arith.addi %mul3A_264, %add3A_265 : i32
        %get3A_267 = arith.index_cast %add3A_266 : i32 to index
        %get3A_268 = tpu.vector_load %arg11[%get3A_267] {strides = array<i32>} : memref<4000xi32, #tpu.memory_space<vmem>>, vector<16xi32>,
        %mul3A_269 = arith.constant 32 : i32
        %mul3A_270 = arith.muli %scan3A_234, %mul3A_269 : i32
        %add3A_271 = arith.constant 16 : i32
        %add3A_272 = arith.addi %mul3A_270, %add3A_271 : i32
        %get3A_273 = arith.index_cast %add3A_272 : i32 to index
        %get3A_274 = tpu.vector_load %arg13[%get3A_273] {strides = array<i32>} : memref<4000xf32, #tpu.memory_space<vmem>>, vector<16xf32>,
        %sub3A_275 = vector.broadcast %mul3A_0 : i32 to vector<16xi32>
        %sub3A_276 = arith.subi %get3A_262, %sub3A_275 : vector<16xi32>
        %bitcast3A_277 = vector.bitcast %sub3A_276 : vector<16xi32> to vector<16xi32>
        %lt3A_278 = vector.broadcast %select_n3A : i32 to vector<16xi32>
        %lt3A_279 = arith.cmpi ult, %bitcast3A_277, %lt3A_278 : vector<16xi32>
        tpu.vector_store_idx %arg7[%sub3A_276, %get3A_268], %get3A_274 masked %lt3A_279 : memref<64x1000xf32, #tpu.memory_space<vmem>>[vector<16xi32>, vector<16xi32>], vector<16xf32>, vector<16xi1>
        %scan3A_280 = arith.constant 0 : i32
        scf.yield %scan3A_280 : i32
      }
      %scan3A_99 = arith.constant 125 : i32
      %dma_wait3A_100 = tpu.memref_slice %arg2[%multiple_of3A_32] : memref<512000xi32, #tpu.memory_space<hbm>> -> memref<4000xi32, #tpu.memory_space<hbm>>
      %dma_wait3A_101 = tpu.memref_slice %arg2[%multiple_of3A_32] : memref<512000xi32, #tpu.memory_space<hbm>> -> memref<4000xi32, #tpu.memory_space<hbm>>
      tpu.wait_dma2 semaphore(%arg14 : memref<!tpu.dma_semaphore, #tpu.memory_space<semaphore_mem>>) src(%dma_wait3A_101 : memref<4000xi32, #tpu.memory_space<hbm>>) dst(%arg8 : memref<4000xi32, #tpu.memory_space<vmem>>)
      %dma_wait3A_102 = tpu.memref_slice %arg3[%multiple_of3A_32] : memref<512000xi32, #tpu.memory_space<hbm>> -> memref<4000xi32, #tpu.memory_space<hbm>>
      %dma_wait3A_103 = tpu.memref_slice %arg3[%multiple_of3A_32] : memref<512000xi32, #tpu.memory_space<hbm>> -> memref<4000xi32, #tpu.memory_space<hbm>>
      tpu.wait_dma2 semaphore(%arg14 : memref<!tpu.dma_semaphore, #tpu.memory_space<semaphore_mem>>) src(%dma_wait3A_103 : memref<4000xi32, #tpu.memory_space<hbm>>) dst(%arg10 : memref<4000xi32, #tpu.memory_space<vmem>>)
      %dma_wait3A_104 = tpu.memref_slice %arg4[%multiple_of3A_32] : memref<512000xf32, #tpu.memory_space<hbm>> -> memref<4000xf32, #tpu.memory_space<hbm>>
      %dma_wait3A_105 = tpu.memref_slice %arg4[%multiple_of3A_32] : memref<512000xf32, #tpu.memory_space<hbm>> -> memref<4000xf32, #tpu.memory_space<hbm>>
      tpu.wait_dma2 semaphore(%arg14 : memref<!tpu.dma_semaphore, #tpu.memory_space<semaphore_mem>>) src(%dma_wait3A_105 : memref<4000xf32, #tpu.memory_space<hbm>>) dst(%arg12 : memref<4000xf32, #tpu.memory_space<vmem>>)
      %add3A_106 = arith.constant 12000 : i32
      %add3A_107 = arith.addi %multiple_of3A_32, %add3A_106 : i32
      %multiple_of3A_108 = tpu.assume_multiple %add3A_107, 8 : i32
      %dma_start3A_109 = tpu.memref_slice %arg2[%multiple_of3A_108] : memref<512000xi32, #tpu.memory_space<hbm>> -> memref<4000xi32, #tpu.memory_space<hbm>>
      %dma_start3A_110 = tpu.memref_slice %arg2[%multiple_of3A_108] : memref<512000xi32, #tpu.memory_space<hbm>> -> memref<4000xi32, #tpu.memory_space<hbm>>
      tpu.enqueue_dma source(%dma_start3A_110 : memref<4000xi32, #tpu.memory_space<hbm>>) target(%arg9 : memref<4000xi32, #tpu.memory_space<vmem>>) target_semaphore(%arg15 : memref<!tpu.dma_semaphore, #tpu.memory_space<semaphore_mem>>)
      %dma_start3A_111 = tpu.memref_slice %arg3[%multiple_of3A_108] : memref<512000xi32, #tpu.memory_space<hbm>> -> memref<4000xi32, #tpu.memory_space<hbm>>
      %dma_start3A_112 = tpu.memref_slice %arg3[%multiple_of3A_108] : memref<512000xi32, #tpu.memory_space<hbm>> -> memref<4000xi32, #tpu.memory_space<hbm>>
      tpu.enqueue_dma source(%dma_start3A_112 : memref<4000xi32, #tpu.memory_space<hbm>>) target(%arg11 : memref<4000xi32, #tpu.memory_space<vmem>>) target_semaphore(%arg15 : memref<!tpu.dma_semaphore, #tpu.memory_space<semaphore_mem>>)
      %dma_start3A_113 = tpu.memref_slice %arg4[%multiple_of3A_108] : memref<512000xf32, #tpu.memory_space<hbm>> -> memref<4000xf32, #tpu.memory_space<hbm>>
      %dma_start3A_114 = tpu.memref_slice %arg4[%multiple_of3A_108] : memref<512000xf32, #tpu.memory_space<hbm>> -> memref<4000xf32, #tpu.memory_space<hbm>>
      tpu.enqueue_dma source(%dma_start3A_114 : memref<4000xf32, #tpu.memory_space<hbm>>) target(%arg13 : memref<4000xf32, #tpu.memory_space<vmem>>) target_semaphore(%arg15 : memref<!tpu.dma_semaphore, #tpu.memory_space<semaphore_mem>>)
      %scan3A_115 = arith.constant 0 : i32
      %scan3A_116 = arith.constant 0 : i32
      %scan3A_117 = arith.constant 125 : i32
      %scan3A_118 = arith.addi %scan3A_116, %scan3A_117 : i32
      %scan3A_119 = arith.constant 1 : i32
      %scan3A_120 = scf.for %scan3A_234 = %scan3A_116 to %scan3A_118 step %scan3A_119 iter_args(%scan3A_235 = %scan3A_115) -> (i32)  : i32 {
        %mul3A_236 = arith.constant 32 : i32
        %mul3A_237 = arith.muli %scan3A_234, %mul3A_236 : i32
        %add3A_238 = arith.constant 0 : i32
        %add3A_239 = arith.addi %mul3A_237, %add3A_238 : i32
        %get3A = arith.index_cast %add3A_239 : i32 to index
        %get3A_240 = tpu.vector_load %arg8[%get3A] {strides = array<i32>} : memref<4000xi32, #tpu.memory_space<vmem>>, vector<16xi32>,
        %mul3A_241 = arith.constant 32 : i32
        %mul3A_242 = arith.muli %scan3A_234, %mul3A_241 : i32
        %add3A_243 = arith.constant 0 : i32
        %add3A_244 = arith.addi %mul3A_242, %add3A_243 : i32
        %get3A_245 = arith.index_cast %add3A_244 : i32 to index
        %get3A_246 = tpu.vector_load %arg10[%get3A_245] {strides = array<i32>} : memref<4000xi32, #tpu.memory_space<vmem>>, vector<16xi32>,
        %mul3A_247 = arith.constant 32 : i32
        %mul3A_248 = arith.muli %scan3A_234, %mul3A_247 : i32
        %add3A_249 = arith.constant 0 : i32
        %add3A_250 = arith.addi %mul3A_248, %add3A_249 : i32
        %get3A_251 = arith.index_cast %add3A_250 : i32 to index
        %get3A_252 = tpu.vector_load %arg12[%get3A_251] {strides = array<i32>} : memref<4000xf32, #tpu.memory_space<vmem>>, vector<16xf32>,
        %sub3A_253 = vector.broadcast %mul3A_0 : i32 to vector<16xi32>
        %sub3A_254 = arith.subi %get3A_240, %sub3A_253 : vector<16xi32>
        %bitcast3A = vector.bitcast %sub3A_254 : vector<16xi32> to vector<16xi32>
        %lt3A_255 = vector.broadcast %select_n3A : i32 to vector<16xi32>
        %lt3A_256 = arith.cmpi ult, %bitcast3A, %lt3A_255 : vector<16xi32>
        tpu.vector_store_idx %arg7[%sub3A_254, %get3A_246], %get3A_252 masked %lt3A_256 : memref<64x1000xf32, #tpu.memory_space<vmem>>[vector<16xi32>, vector<16xi32>], vector<16xf32>, vector<16xi1>
        %mul3A_257 = arith.constant 32 : i32
        %mul3A_258 = arith.muli %scan3A_234, %mul3A_257 : i32
        %add3A_259 = arith.constant 16 : i32
        %add3A_260 = arith.addi %mul3A_258, %add3A_259 : i32
        %get3A_261 = arith.index_cast %add3A_260 : i32 to index
        %get3A_262 = tpu.vector_load %arg8[%get3A_261] {strides = array<i32>} : memref<4000xi32, #tpu.memory_space<vmem>>, vector<16xi32>,
        %mul3A_263 = arith.constant 32 : i32
        %mul3A_264 = arith.muli %scan3A_234, %mul3A_263 : i32
        %add3A_265 = arith.constant 16 : i32
        %add3A_266 = arith.addi %mul3A_264, %add3A_265 : i32
        %get3A_267 = arith.index_cast %add3A_266 : i32 to index
        %get3A_268 = tpu.vector_load %arg10[%get3A_267] {strides = array<i32>} : memref<4000xi32, #tpu.memory_space<vmem>>, vector<16xi32>,
        %mul3A_269 = arith.constant 32 : i32
        %mul3A_270 = arith.muli %scan3A_234, %mul3A_269 : i32
        %add3A_271 = arith.constant 16 : i32
        %add3A_272 = arith.addi %mul3A_270, %add3A_271 : i32
        %get3A_273 = arith.index_cast %add3A_272 : i32 to index
        %get3A_274 = tpu.vector_load %arg12[%get3A_273] {strides = array<i32>} : memref<4000xf32, #tpu.memory_space<vmem>>, vector<16xf32>,
        %sub3A_275 = vector.broadcast %mul3A_0 : i32 to vector<16xi32>
        %sub3A_276 = arith.subi %get3A_262, %sub3A_275 : vector<16xi32>
        %bitcast3A_277 = vector.bitcast %sub3A_276 : vector<16xi32> to vector<16xi32>
        %lt3A_278 = vector.broadcast %select_n3A : i32 to vector<16xi32>
        %lt3A_279 = arith.cmpi ult, %bitcast3A_277, %lt3A_278 : vector<16xi32>
        tpu.vector_store_idx %arg7[%sub3A_276, %get3A_268], %get3A_274 masked %lt3A_279 : memref<64x1000xf32, #tpu.memory_space<vmem>>[vector<16xi32>, vector<16xi32>], vector<16xf32>, vector<16xi1>
        %scan3A_280 = arith.constant 0 : i32
        scf.yield %scan3A_280 : i32
      }
      %scan3A_121 = arith.constant 125 : i32
      %dma_wait3A_122 = tpu.memref_slice %arg2[%multiple_of3A_32] : memref<512000xi32, #tpu.memory_space<hbm>> -> memref<4000xi32, #tpu.memory_space<hbm>>
      %dma_wait3A_123 = tpu.memref_slice %arg2[%multiple_of3A_32] : memref<512000xi32, #tpu.memory_space<hbm>> -> memref<4000xi32, #tpu.memory_space<hbm>>
      tpu.wait_dma2 semaphore(%arg15 : memref<!tpu.dma_semaphore, #tpu.memory_space<semaphore_mem>>) src(%dma_wait3A_123 : memref<4000xi32, #tpu.memory_space<hbm>>) dst(%arg9 : memref<4000xi32, #tpu.memory_space<vmem>>)
      %dma_wait3A_124 = tpu.memref_slice %arg3[%multiple_of3A_32] : memref<512000xi32, #tpu.memory_space<hbm>> -> memref<4000xi32, #tpu.memory_space<hbm>>
      %dma_wait3A_125 = tpu.memref_slice %arg3[%multiple_of3A_32] : memref<512000xi32, #tpu.memory_space<hbm>> -> memref<4000xi32, #tpu.memory_space<hbm>>
      tpu.wait_dma2 semaphore(%arg15 : memref<!tpu.dma_semaphore, #tpu.memory_space<semaphore_mem>>) src(%dma_wait3A_125 : memref<4000xi32, #tpu.memory_space<hbm>>) dst(%arg11 : memref<4000xi32, #tpu.memory_space<vmem>>)
      %dma_wait3A_126 = tpu.memref_slice %arg4[%multiple_of3A_32] : memref<512000xf32, #tpu.memory_space<hbm>> -> memref<4000xf32, #tpu.memory_space<hbm>>
      %dma_wait3A_127 = tpu.memref_slice %arg4[%multiple_of3A_32] : memref<512000xf32, #tpu.memory_space<hbm>> -> memref<4000xf32, #tpu.memory_space<hbm>>
      tpu.wait_dma2 semaphore(%arg15 : memref<!tpu.dma_semaphore, #tpu.memory_space<semaphore_mem>>) src(%dma_wait3A_127 : memref<4000xf32, #tpu.memory_space<hbm>>) dst(%arg13 : memref<4000xf32, #tpu.memory_space<vmem>>)
      %add3A_128 = arith.constant 16000 : i32
      %add3A_129 = arith.addi %multiple_of3A_32, %add3A_128 : i32
      %multiple_of3A_130 = tpu.assume_multiple %add3A_129, 8 : i32
      %dma_start3A_131 = tpu.memref_slice %arg2[%multiple_of3A_130] : memref<512000xi32, #tpu.memory_space<hbm>> -> memref<4000xi32, #tpu.memory_space<hbm>>
      %dma_start3A_132 = tpu.memref_slice %arg2[%multiple_of3A_130] : memref<512000xi32, #tpu.memory_space<hbm>> -> memref<4000xi32, #tpu.memory_space<hbm>>
      tpu.enqueue_dma source(%dma_start3A_132 : memref<4000xi32, #tpu.memory_space<hbm>>) target(%arg8 : memref<4000xi32, #tpu.memory_space<vmem>>) target_semaphore(%arg14 : memref<!tpu.dma_semaphore, #tpu.memory_space<semaphore_mem>>)
      %dma_start3A_133 = tpu.memref_slice %arg3[%multiple_of3A_130] : memref<512000xi32, #tpu.memory_space<hbm>> -> memref<4000xi32, #tpu.memory_space<hbm>>
      %dma_start3A_134 = tpu.memref_slice %arg3[%multiple_of3A_130] : memref<512000xi32, #tpu.memory_space<hbm>> -> memref<4000xi32, #tpu.memory_space<hbm>>
      tpu.enqueue_dma source(%dma_start3A_134 : memref<4000xi32, #tpu.memory_space<hbm>>) target(%arg10 : memref<4000xi32, #tpu.memory_space<vmem>>) target_semaphore(%arg14 : memref<!tpu.dma_semaphore, #tpu.memory_space<semaphore_mem>>)
      %dma_start3A_135 = tpu.memref_slice %arg4[%multiple_of3A_130] : memref<512000xf32, #tpu.memory_space<hbm>> -> memref<4000xf32, #tpu.memory_space<hbm>>
      %dma_start3A_136 = tpu.memref_slice %arg4[%multiple_of3A_130] : memref<512000xf32, #tpu.memory_space<hbm>> -> memref<4000xf32, #tpu.memory_space<hbm>>
      tpu.enqueue_dma source(%dma_start3A_136 : memref<4000xf32, #tpu.memory_space<hbm>>) target(%arg12 : memref<4000xf32, #tpu.memory_space<vmem>>) target_semaphore(%arg14 : memref<!tpu.dma_semaphore, #tpu.memory_space<semaphore_mem>>)
      %scan3A_137 = arith.constant 0 : i32
      %scan3A_138 = arith.constant 0 : i32
      %scan3A_139 = arith.constant 125 : i32
      %scan3A_140 = arith.addi %scan3A_138, %scan3A_139 : i32
      %scan3A_141 = arith.constant 1 : i32
      %scan3A_142 = scf.for %scan3A_234 = %scan3A_138 to %scan3A_140 step %scan3A_141 iter_args(%scan3A_235 = %scan3A_137) -> (i32)  : i32 {
        %mul3A_236 = arith.constant 32 : i32
        %mul3A_237 = arith.muli %scan3A_234, %mul3A_236 : i32
        %add3A_238 = arith.constant 0 : i32
        %add3A_239 = arith.addi %mul3A_237, %add3A_238 : i32
        %get3A = arith.index_cast %add3A_239 : i32 to index
        %get3A_240 = tpu.vector_load %arg9[%get3A] {strides = array<i32>} : memref<4000xi32, #tpu.memory_space<vmem>>, vector<16xi32>,
        %mul3A_241 = arith.constant 32 : i32
        %mul3A_242 = arith.muli %scan3A_234, %mul3A_241 : i32
        %add3A_243 = arith.constant 0 : i32
        %add3A_244 = arith.addi %mul3A_242, %add3A_243 : i32
        %get3A_245 = arith.index_cast %add3A_244 : i32 to index
        %get3A_246 = tpu.vector_load %arg11[%get3A_245] {strides = array<i32>} : memref<4000xi32, #tpu.memory_space<vmem>>, vector<16xi32>,
        %mul3A_247 = arith.constant 32 : i32
        %mul3A_248 = arith.muli %scan3A_234, %mul3A_247 : i32
        %add3A_249 = arith.constant 0 : i32
        %add3A_250 = arith.addi %mul3A_248, %add3A_249 : i32
        %get3A_251 = arith.index_cast %add3A_250 : i32 to index
        %get3A_252 = tpu.vector_load %arg13[%get3A_251] {strides = array<i32>} : memref<4000xf32, #tpu.memory_space<vmem>>, vector<16xf32>,
        %sub3A_253 = vector.broadcast %mul3A_0 : i32 to vector<16xi32>
        %sub3A_254 = arith.subi %get3A_240, %sub3A_253 : vector<16xi32>
        %bitcast3A = vector.bitcast %sub3A_254 : vector<16xi32> to vector<16xi32>
        %lt3A_255 = vector.broadcast %select_n3A : i32 to vector<16xi32>
        %lt3A_256 = arith.cmpi ult, %bitcast3A, %lt3A_255 : vector<16xi32>
        tpu.vector_store_idx %arg7[%sub3A_254, %get3A_246], %get3A_252 masked %lt3A_256 : memref<64x1000xf32, #tpu.memory_space<vmem>>[vector<16xi32>, vector<16xi32>], vector<16xf32>, vector<16xi1>
        %mul3A_257 = arith.constant 32 : i32
        %mul3A_258 = arith.muli %scan3A_234, %mul3A_257 : i32
        %add3A_259 = arith.constant 16 : i32
        %add3A_260 = arith.addi %mul3A_258, %add3A_259 : i32
        %get3A_261 = arith.index_cast %add3A_260 : i32 to index
        %get3A_262 = tpu.vector_load %arg9[%get3A_261] {strides = array<i32>} : memref<4000xi32, #tpu.memory_space<vmem>>, vector<16xi32>,
        %mul3A_263 = arith.constant 32 : i32
        %mul3A_264 = arith.muli %scan3A_234, %mul3A_263 : i32
        %add3A_265 = arith.constant 16 : i32
        %add3A_266 = arith.addi %mul3A_264, %add3A_265 : i32
        %get3A_267 = arith.index_cast %add3A_266 : i32 to index
        %get3A_268 = tpu.vector_load %arg11[%get3A_267] {strides = array<i32>} : memref<4000xi32, #tpu.memory_space<vmem>>, vector<16xi32>,
        %mul3A_269 = arith.constant 32 : i32
        %mul3A_270 = arith.muli %scan3A_234, %mul3A_269 : i32
        %add3A_271 = arith.constant 16 : i32
        %add3A_272 = arith.addi %mul3A_270, %add3A_271 : i32
        %get3A_273 = arith.index_cast %add3A_272 : i32 to index
        %get3A_274 = tpu.vector_load %arg13[%get3A_273] {strides = array<i32>} : memref<4000xf32, #tpu.memory_space<vmem>>, vector<16xf32>,
        %sub3A_275 = vector.broadcast %mul3A_0 : i32 to vector<16xi32>
        %sub3A_276 = arith.subi %get3A_262, %sub3A_275 : vector<16xi32>
        %bitcast3A_277 = vector.bitcast %sub3A_276 : vector<16xi32> to vector<16xi32>
        %lt3A_278 = vector.broadcast %select_n3A : i32 to vector<16xi32>
        %lt3A_279 = arith.cmpi ult, %bitcast3A_277, %lt3A_278 : vector<16xi32>
        tpu.vector_store_idx %arg7[%sub3A_276, %get3A_268], %get3A_274 masked %lt3A_279 : memref<64x1000xf32, #tpu.memory_space<vmem>>[vector<16xi32>, vector<16xi32>], vector<16xf32>, vector<16xi1>
        %scan3A_280 = arith.constant 0 : i32
        scf.yield %scan3A_280 : i32
      }
      %scan3A_143 = arith.constant 125 : i32
      %dma_wait3A_144 = tpu.memref_slice %arg2[%multiple_of3A_32] : memref<512000xi32, #tpu.memory_space<hbm>> -> memref<4000xi32, #tpu.memory_space<hbm>>
      %dma_wait3A_145 = tpu.memref_slice %arg2[%multiple_of3A_32] : memref<512000xi32, #tpu.memory_space<hbm>> -> memref<4000xi32, #tpu.memory_space<hbm>>
      tpu.wait_dma2 semaphore(%arg14 : memref<!tpu.dma_semaphore, #tpu.memory_space<semaphore_mem>>) src(%dma_wait3A_145 : memref<4000xi32, #tpu.memory_space<hbm>>) dst(%arg8 : memref<4000xi32, #tpu.memory_space<vmem>>)
      %dma_wait3A_146 = tpu.memref_slice %arg3[%multiple_of3A_32] : memref<512000xi32, #tpu.memory_space<hbm>> -> memref<4000xi32, #tpu.memory_space<hbm>>
      %dma_wait3A_147 = tpu.memref_slice %arg3[%multiple_of3A_32] : memref<512000xi32, #tpu.memory_space<hbm>> -> memref<4000xi32, #tpu.memory_space<hbm>>
      tpu.wait_dma2 semaphore(%arg14 : memref<!tpu.dma_semaphore, #tpu.memory_space<semaphore_mem>>) src(%dma_wait3A_147 : memref<4000xi32, #tpu.memory_space<hbm>>) dst(%arg10 : memref<4000xi32, #tpu.memory_space<vmem>>)
      %dma_wait3A_148 = tpu.memref_slice %arg4[%multiple_of3A_32] : memref<512000xf32, #tpu.memory_space<hbm>> -> memref<4000xf32, #tpu.memory_space<hbm>>
      %dma_wait3A_149 = tpu.memref_slice %arg4[%multiple_of3A_32] : memref<512000xf32, #tpu.memory_space<hbm>> -> memref<4000xf32, #tpu.memory_space<hbm>>
      tpu.wait_dma2 semaphore(%arg14 : memref<!tpu.dma_semaphore, #tpu.memory_space<semaphore_mem>>) src(%dma_wait3A_149 : memref<4000xf32, #tpu.memory_space<hbm>>) dst(%arg12 : memref<4000xf32, #tpu.memory_space<vmem>>)
      %add3A_150 = arith.constant 20000 : i32
      %add3A_151 = arith.addi %multiple_of3A_32, %add3A_150 : i32
      %multiple_of3A_152 = tpu.assume_multiple %add3A_151, 8 : i32
      %dma_start3A_153 = tpu.memref_slice %arg2[%multiple_of3A_152] : memref<512000xi32, #tpu.memory_space<hbm>> -> memref<4000xi32, #tpu.memory_space<hbm>>
      %dma_start3A_154 = tpu.memref_slice %arg2[%multiple_of3A_152] : memref<512000xi32, #tpu.memory_space<hbm>> -> memref<4000xi32, #tpu.memory_space<hbm>>
      tpu.enqueue_dma source(%dma_start3A_154 : memref<4000xi32, #tpu.memory_space<hbm>>) target(%arg9 : memref<4000xi32, #tpu.memory_space<vmem>>) target_semaphore(%arg15 : memref<!tpu.dma_semaphore, #tpu.memory_space<semaphore_mem>>)
      %dma_start3A_155 = tpu.memref_slice %arg3[%multiple_of3A_152] : memref<512000xi32, #tpu.memory_space<hbm>> -> memref<4000xi32, #tpu.memory_space<hbm>>
      %dma_start3A_156 = tpu.memref_slice %arg3[%multiple_of3A_152] : memref<512000xi32, #tpu.memory_space<hbm>> -> memref<4000xi32, #tpu.memory_space<hbm>>
      tpu.enqueue_dma source(%dma_start3A_156 : memref<4000xi32, #tpu.memory_space<hbm>>) target(%arg11 : memref<4000xi32, #tpu.memory_space<vmem>>) target_semaphore(%arg15 : memref<!tpu.dma_semaphore, #tpu.memory_space<semaphore_mem>>)
      %dma_start3A_157 = tpu.memref_slice %arg4[%multiple_of3A_152] : memref<512000xf32, #tpu.memory_space<hbm>> -> memref<4000xf32, #tpu.memory_space<hbm>>
      %dma_start3A_158 = tpu.memref_slice %arg4[%multiple_of3A_152] : memref<512000xf32, #tpu.memory_space<hbm>> -> memref<4000xf32, #tpu.memory_space<hbm>>
      tpu.enqueue_dma source(%dma_start3A_158 : memref<4000xf32, #tpu.memory_space<hbm>>) target(%arg13 : memref<4000xf32, #tpu.memory_space<vmem>>) target_semaphore(%arg15 : memref<!tpu.dma_semaphore, #tpu.memory_space<semaphore_mem>>)
      %scan3A_159 = arith.constant 0 : i32
      %scan3A_160 = arith.constant 0 : i32
      %scan3A_161 = arith.constant 125 : i32
      %scan3A_162 = arith.addi %scan3A_160, %scan3A_161 : i32
      %scan3A_163 = arith.constant 1 : i32
      %scan3A_164 = scf.for %scan3A_234 = %scan3A_160 to %scan3A_162 step %scan3A_163 iter_args(%scan3A_235 = %scan3A_159) -> (i32)  : i32 {
        %mul3A_236 = arith.constant 32 : i32
        %mul3A_237 = arith.muli %scan3A_234, %mul3A_236 : i32
        %add3A_238 = arith.constant 0 : i32
        %add3A_239 = arith.addi %mul3A_237, %add3A_238 : i32
        %get3A = arith.index_cast %add3A_239 : i32 to index
        %get3A_240 = tpu.vector_load %arg8[%get3A] {strides = array<i32>} : memref<4000xi32, #tpu.memory_space<vmem>>, vector<16xi32>,
        %mul3A_241 = arith.constant 32 : i32
        %mul3A_242 = arith.muli %scan3A_234, %mul3A_241 : i32
        %add3A_243 = arith.constant 0 : i32
        %add3A_244 = arith.addi %mul3A_242, %add3A_243 : i32
        %get3A_245 = arith.index_cast %add3A_244 : i32 to index
        %get3A_246 = tpu.vector_load %arg10[%get3A_245] {strides = array<i32>} : memref<4000xi32, #tpu.memory_space<vmem>>, vector<16xi32>,
        %mul3A_247 = arith.constant 32 : i32
        %mul3A_248 = arith.muli %scan3A_234, %mul3A_247 : i32
        %add3A_249 = arith.constant 0 : i32
        %add3A_250 = arith.addi %mul3A_248, %add3A_249 : i32
        %get3A_251 = arith.index_cast %add3A_250 : i32 to index
        %get3A_252 = tpu.vector_load %arg12[%get3A_251] {strides = array<i32>} : memref<4000xf32, #tpu.memory_space<vmem>>, vector<16xf32>,
        %sub3A_253 = vector.broadcast %mul3A_0 : i32 to vector<16xi32>
        %sub3A_254 = arith.subi %get3A_240, %sub3A_253 : vector<16xi32>
        %bitcast3A = vector.bitcast %sub3A_254 : vector<16xi32> to vector<16xi32>
        %lt3A_255 = vector.broadcast %select_n3A : i32 to vector<16xi32>
        %lt3A_256 = arith.cmpi ult, %bitcast3A, %lt3A_255 : vector<16xi32>
        tpu.vector_store_idx %arg7[%sub3A_254, %get3A_246], %get3A_252 masked %lt3A_256 : memref<64x1000xf32, #tpu.memory_space<vmem>>[vector<16xi32>, vector<16xi32>], vector<16xf32>, vector<16xi1>
        %mul3A_257 = arith.constant 32 : i32
        %mul3A_258 = arith.muli %scan3A_234, %mul3A_257 : i32
        %add3A_259 = arith.constant 16 : i32
        %add3A_260 = arith.addi %mul3A_258, %add3A_259 : i32
        %get3A_261 = arith.index_cast %add3A_260 : i32 to index
        %get3A_262 = tpu.vector_load %arg8[%get3A_261] {strides = array<i32>} : memref<4000xi32, #tpu.memory_space<vmem>>, vector<16xi32>,
        %mul3A_263 = arith.constant 32 : i32
        %mul3A_264 = arith.muli %scan3A_234, %mul3A_263 : i32
        %add3A_265 = arith.constant 16 : i32
        %add3A_266 = arith.addi %mul3A_264, %add3A_265 : i32
        %get3A_267 = arith.index_cast %add3A_266 : i32 to index
        %get3A_268 = tpu.vector_load %arg10[%get3A_267] {strides = array<i32>} : memref<4000xi32, #tpu.memory_space<vmem>>, vector<16xi32>,
        %mul3A_269 = arith.constant 32 : i32
        %mul3A_270 = arith.muli %scan3A_234, %mul3A_269 : i32
        %add3A_271 = arith.constant 16 : i32
        %add3A_272 = arith.addi %mul3A_270, %add3A_271 : i32
        %get3A_273 = arith.index_cast %add3A_272 : i32 to index
        %get3A_274 = tpu.vector_load %arg12[%get3A_273] {strides = array<i32>} : memref<4000xf32, #tpu.memory_space<vmem>>, vector<16xf32>,
        %sub3A_275 = vector.broadcast %mul3A_0 : i32 to vector<16xi32>
        %sub3A_276 = arith.subi %get3A_262, %sub3A_275 : vector<16xi32>
        %bitcast3A_277 = vector.bitcast %sub3A_276 : vector<16xi32> to vector<16xi32>
        %lt3A_278 = vector.broadcast %select_n3A : i32 to vector<16xi32>
        %lt3A_279 = arith.cmpi ult, %bitcast3A_277, %lt3A_278 : vector<16xi32>
        tpu.vector_store_idx %arg7[%sub3A_276, %get3A_268], %get3A_274 masked %lt3A_279 : memref<64x1000xf32, #tpu.memory_space<vmem>>[vector<16xi32>, vector<16xi32>], vector<16xf32>, vector<16xi1>
        %scan3A_280 = arith.constant 0 : i32
        scf.yield %scan3A_280 : i32
      }
      %scan3A_165 = arith.constant 125 : i32
      %dma_wait3A_166 = tpu.memref_slice %arg2[%multiple_of3A_32] : memref<512000xi32, #tpu.memory_space<hbm>> -> memref<4000xi32, #tpu.memory_space<hbm>>
      %dma_wait3A_167 = tpu.memref_slice %arg2[%multiple_of3A_32] : memref<512000xi32, #tpu.memory_space<hbm>> -> memref<4000xi32, #tpu.memory_space<hbm>>
      tpu.wait_dma2 semaphore(%arg15 : memref<!tpu.dma_semaphore, #tpu.memory_space<semaphore_mem>>) src(%dma_wait3A_167 : memref<4000xi32, #tpu.memory_space<hbm>>) dst(%arg9 : memref<4000xi32, #tpu.memory_space<vmem>>)
      %dma_wait3A_168 = tpu.memref_slice %arg3[%multiple_of3A_32] : memref<512000xi32, #tpu.memory_space<hbm>> -> memref<4000xi32, #tpu.memory_space<hbm>>
      %dma_wait3A_169 = tpu.memref_slice %arg3[%multiple_of3A_32] : memref<512000xi32, #tpu.memory_space<hbm>> -> memref<4000xi32, #tpu.memory_space<hbm>>
      tpu.wait_dma2 semaphore(%arg15 : memref<!tpu.dma_semaphore, #tpu.memory_space<semaphore_mem>>) src(%dma_wait3A_169 : memref<4000xi32, #tpu.memory_space<hbm>>) dst(%arg11 : memref<4000xi32, #tpu.memory_space<vmem>>)
      %dma_wait3A_170 = tpu.memref_slice %arg4[%multiple_of3A_32] : memref<512000xf32, #tpu.memory_space<hbm>> -> memref<4000xf32, #tpu.memory_space<hbm>>
      %dma_wait3A_171 = tpu.memref_slice %arg4[%multiple_of3A_32] : memref<512000xf32, #tpu.memory_space<hbm>> -> memref<4000xf32, #tpu.memory_space<hbm>>
      tpu.wait_dma2 semaphore(%arg15 : memref<!tpu.dma_semaphore, #tpu.memory_space<semaphore_mem>>) src(%dma_wait3A_171 : memref<4000xf32, #tpu.memory_space<hbm>>) dst(%arg13 : memref<4000xf32, #tpu.memory_space<vmem>>)
      %add3A_172 = arith.constant 24000 : i32
      %add3A_173 = arith.addi %multiple_of3A_32, %add3A_172 : i32
      %multiple_of3A_174 = tpu.assume_multiple %add3A_173, 8 : i32
      %dma_start3A_175 = tpu.memref_slice %arg2[%multiple_of3A_174] : memref<512000xi32, #tpu.memory_space<hbm>> -> memref<4000xi32, #tpu.memory_space<hbm>>
      %dma_start3A_176 = tpu.memref_slice %arg2[%multiple_of3A_174] : memref<512000xi32, #tpu.memory_space<hbm>> -> memref<4000xi32, #tpu.memory_space<hbm>>
      tpu.enqueue_dma source(%dma_start3A_176 : memref<4000xi32, #tpu.memory_space<hbm>>) target(%arg8 : memref<4000xi32, #tpu.memory_space<vmem>>) target_semaphore(%arg14 : memref<!tpu.dma_semaphore, #tpu.memory_space<semaphore_mem>>)
      %dma_start3A_177 = tpu.memref_slice %arg3[%multiple_of3A_174] : memref<512000xi32, #tpu.memory_space<hbm>> -> memref<4000xi32, #tpu.memory_space<hbm>>
      %dma_start3A_178 = tpu.memref_slice %arg3[%multiple_of3A_174] : memref<512000xi32, #tpu.memory_space<hbm>> -> memref<4000xi32, #tpu.memory_space<hbm>>
      tpu.enqueue_dma source(%dma_start3A_178 : memref<4000xi32, #tpu.memory_space<hbm>>) target(%arg10 : memref<4000xi32, #tpu.memory_space<vmem>>) target_semaphore(%arg14 : memref<!tpu.dma_semaphore, #tpu.memory_space<semaphore_mem>>)
      %dma_start3A_179 = tpu.memref_slice %arg4[%multiple_of3A_174] : memref<512000xf32, #tpu.memory_space<hbm>> -> memref<4000xf32, #tpu.memory_space<hbm>>
      %dma_start3A_180 = tpu.memref_slice %arg4[%multiple_of3A_174] : memref<512000xf32, #tpu.memory_space<hbm>> -> memref<4000xf32, #tpu.memory_space<hbm>>
      tpu.enqueue_dma source(%dma_start3A_180 : memref<4000xf32, #tpu.memory_space<hbm>>) target(%arg12 : memref<4000xf32, #tpu.memory_space<vmem>>) target_semaphore(%arg14 : memref<!tpu.dma_semaphore, #tpu.memory_space<semaphore_mem>>)
      %scan3A_181 = arith.constant 0 : i32
      %scan3A_182 = arith.constant 0 : i32
      %scan3A_183 = arith.constant 125 : i32
      %scan3A_184 = arith.addi %scan3A_182, %scan3A_183 : i32
      %scan3A_185 = arith.constant 1 : i32
      %scan3A_186 = scf.for %scan3A_234 = %scan3A_182 to %scan3A_184 step %scan3A_185 iter_args(%scan3A_235 = %scan3A_181) -> (i32)  : i32 {
        %mul3A_236 = arith.constant 32 : i32
        %mul3A_237 = arith.muli %scan3A_234, %mul3A_236 : i32
        %add3A_238 = arith.constant 0 : i32
        %add3A_239 = arith.addi %mul3A_237, %add3A_238 : i32
        %get3A = arith.index_cast %add3A_239 : i32 to index
        %get3A_240 = tpu.vector_load %arg9[%get3A] {strides = array<i32>} : memref<4000xi32, #tpu.memory_space<vmem>>, vector<16xi32>,
        %mul3A_241 = arith.constant 32 : i32
        %mul3A_242 = arith.muli %scan3A_234, %mul3A_241 : i32
        %add3A_243 = arith.constant 0 : i32
        %add3A_244 = arith.addi %mul3A_242, %add3A_243 : i32
        %get3A_245 = arith.index_cast %add3A_244 : i32 to index
        %get3A_246 = tpu.vector_load %arg11[%get3A_245] {strides = array<i32>} : memref<4000xi32, #tpu.memory_space<vmem>>, vector<16xi32>,
        %mul3A_247 = arith.constant 32 : i32
        %mul3A_248 = arith.muli %scan3A_234, %mul3A_247 : i32
        %add3A_249 = arith.constant 0 : i32
        %add3A_250 = arith.addi %mul3A_248, %add3A_249 : i32
        %get3A_251 = arith.index_cast %add3A_250 : i32 to index
        %get3A_252 = tpu.vector_load %arg13[%get3A_251] {strides = array<i32>} : memref<4000xf32, #tpu.memory_space<vmem>>, vector<16xf32>,
        %sub3A_253 = vector.broadcast %mul3A_0 : i32 to vector<16xi32>
        %sub3A_254 = arith.subi %get3A_240, %sub3A_253 : vector<16xi32>
        %bitcast3A = vector.bitcast %sub3A_254 : vector<16xi32> to vector<16xi32>
        %lt3A_255 = vector.broadcast %select_n3A : i32 to vector<16xi32>
        %lt3A_256 = arith.cmpi ult, %bitcast3A, %lt3A_255 : vector<16xi32>
        tpu.vector_store_idx %arg7[%sub3A_254, %get3A_246], %get3A_252 masked %lt3A_256 : memref<64x1000xf32, #tpu.memory_space<vmem>>[vector<16xi32>, vector<16xi32>], vector<16xf32>, vector<16xi1>
        %mul3A_257 = arith.constant 32 : i32
        %mul3A_258 = arith.muli %scan3A_234, %mul3A_257 : i32
        %add3A_259 = arith.constant 16 : i32
        %add3A_260 = arith.addi %mul3A_258, %add3A_259 : i32
        %get3A_261 = arith.index_cast %add3A_260 : i32 to index
        %get3A_262 = tpu.vector_load %arg9[%get3A_261] {strides = array<i32>} : memref<4000xi32, #tpu.memory_space<vmem>>, vector<16xi32>,
        %mul3A_263 = arith.constant 32 : i32
        %mul3A_264 = arith.muli %scan3A_234, %mul3A_263 : i32
        %add3A_265 = arith.constant 16 : i32
        %add3A_266 = arith.addi %mul3A_264, %add3A_265 : i32
        %get3A_267 = arith.index_cast %add3A_266 : i32 to index
        %get3A_268 = tpu.vector_load %arg11[%get3A_267] {strides = array<i32>} : memref<4000xi32, #tpu.memory_space<vmem>>, vector<16xi32>,
        %mul3A_269 = arith.constant 32 : i32
        %mul3A_270 = arith.muli %scan3A_234, %mul3A_269 : i32
        %add3A_271 = arith.constant 16 : i32
        %add3A_272 = arith.addi %mul3A_270, %add3A_271 : i32
        %get3A_273 = arith.index_cast %add3A_272 : i32 to index
        %get3A_274 = tpu.vector_load %arg13[%get3A_273] {strides = array<i32>} : memref<4000xf32, #tpu.memory_space<vmem>>, vector<16xf32>,
        %sub3A_275 = vector.broadcast %mul3A_0 : i32 to vector<16xi32>
        %sub3A_276 = arith.subi %get3A_262, %sub3A_275 : vector<16xi32>
        %bitcast3A_277 = vector.bitcast %sub3A_276 : vector<16xi32> to vector<16xi32>
        %lt3A_278 = vector.broadcast %select_n3A : i32 to vector<16xi32>
        %lt3A_279 = arith.cmpi ult, %bitcast3A_277, %lt3A_278 : vector<16xi32>
        tpu.vector_store_idx %arg7[%sub3A_276, %get3A_268], %get3A_274 masked %lt3A_279 : memref<64x1000xf32, #tpu.memory_space<vmem>>[vector<16xi32>, vector<16xi32>], vector<16xf32>, vector<16xi1>
        %scan3A_280 = arith.constant 0 : i32
        scf.yield %scan3A_280 : i32
      }
      %scan3A_187 = arith.constant 125 : i32
      %dma_wait3A_188 = tpu.memref_slice %arg2[%multiple_of3A_32] : memref<512000xi32, #tpu.memory_space<hbm>> -> memref<4000xi32, #tpu.memory_space<hbm>>
      %dma_wait3A_189 = tpu.memref_slice %arg2[%multiple_of3A_32] : memref<512000xi32, #tpu.memory_space<hbm>> -> memref<4000xi32, #tpu.memory_space<hbm>>
      tpu.wait_dma2 semaphore(%arg14 : memref<!tpu.dma_semaphore, #tpu.memory_space<semaphore_mem>>) src(%dma_wait3A_189 : memref<4000xi32, #tpu.memory_space<hbm>>) dst(%arg8 : memref<4000xi32, #tpu.memory_space<vmem>>)
      %dma_wait3A_190 = tpu.memref_slice %arg3[%multiple_of3A_32] : memref<512000xi32, #tpu.memory_space<hbm>> -> memref<4000xi32, #tpu.memory_space<hbm>>
      %dma_wait3A_191 = tpu.memref_slice %arg3[%multiple_of3A_32] : memref<512000xi32, #tpu.memory_space<hbm>> -> memref<4000xi32, #tpu.memory_space<hbm>>
      tpu.wait_dma2 semaphore(%arg14 : memref<!tpu.dma_semaphore, #tpu.memory_space<semaphore_mem>>) src(%dma_wait3A_191 : memref<4000xi32, #tpu.memory_space<hbm>>) dst(%arg10 : memref<4000xi32, #tpu.memory_space<vmem>>)
      %dma_wait3A_192 = tpu.memref_slice %arg4[%multiple_of3A_32] : memref<512000xf32, #tpu.memory_space<hbm>> -> memref<4000xf32, #tpu.memory_space<hbm>>
      %dma_wait3A_193 = tpu.memref_slice %arg4[%multiple_of3A_32] : memref<512000xf32, #tpu.memory_space<hbm>> -> memref<4000xf32, #tpu.memory_space<hbm>>
      tpu.wait_dma2 semaphore(%arg14 : memref<!tpu.dma_semaphore, #tpu.memory_space<semaphore_mem>>) src(%dma_wait3A_193 : memref<4000xf32, #tpu.memory_space<hbm>>) dst(%arg12 : memref<4000xf32, #tpu.memory_space<vmem>>)
      %add3A_194 = arith.constant 28000 : i32
      %add3A_195 = arith.addi %multiple_of3A_32, %add3A_194 : i32
      %multiple_of3A_196 = tpu.assume_multiple %add3A_195, 8 : i32
      %dma_start3A_197 = tpu.memref_slice %arg2[%multiple_of3A_196] : memref<512000xi32, #tpu.memory_space<hbm>> -> memref<4000xi32, #tpu.memory_space<hbm>>
      %dma_start3A_198 = tpu.memref_slice %arg2[%multiple_of3A_196] : memref<512000xi32, #tpu.memory_space<hbm>> -> memref<4000xi32, #tpu.memory_space<hbm>>
      tpu.enqueue_dma source(%dma_start3A_198 : memref<4000xi32, #tpu.memory_space<hbm>>) target(%arg9 : memref<4000xi32, #tpu.memory_space<vmem>>) target_semaphore(%arg15 : memref<!tpu.dma_semaphore, #tpu.memory_space<semaphore_mem>>)
      %dma_start3A_199 = tpu.memref_slice %arg3[%multiple_of3A_196] : memref<512000xi32, #tpu.memory_space<hbm>> -> memref<4000xi32, #tpu.memory_space<hbm>>
      %dma_start3A_200 = tpu.memref_slice %arg3[%multiple_of3A_196] : memref<512000xi32, #tpu.memory_space<hbm>> -> memref<4000xi32, #tpu.memory_space<hbm>>
      tpu.enqueue_dma source(%dma_start3A_200 : memref<4000xi32, #tpu.memory_space<hbm>>) target(%arg11 : memref<4000xi32, #tpu.memory_space<vmem>>) target_semaphore(%arg15 : memref<!tpu.dma_semaphore, #tpu.memory_space<semaphore_mem>>)
      %dma_start3A_201 = tpu.memref_slice %arg4[%multiple_of3A_196] : memref<512000xf32, #tpu.memory_space<hbm>> -> memref<4000xf32, #tpu.memory_space<hbm>>
      %dma_start3A_202 = tpu.memref_slice %arg4[%multiple_of3A_196] : memref<512000xf32, #tpu.memory_space<hbm>> -> memref<4000xf32, #tpu.memory_space<hbm>>
      tpu.enqueue_dma source(%dma_start3A_202 : memref<4000xf32, #tpu.memory_space<hbm>>) target(%arg13 : memref<4000xf32, #tpu.memory_space<vmem>>) target_semaphore(%arg15 : memref<!tpu.dma_semaphore, #tpu.memory_space<semaphore_mem>>)
      %scan3A_203 = arith.constant 0 : i32
      %scan3A_204 = arith.constant 0 : i32
      %scan3A_205 = arith.constant 125 : i32
      %scan3A_206 = arith.addi %scan3A_204, %scan3A_205 : i32
      %scan3A_207 = arith.constant 1 : i32
      %scan3A_208 = scf.for %scan3A_234 = %scan3A_204 to %scan3A_206 step %scan3A_207 iter_args(%scan3A_235 = %scan3A_203) -> (i32)  : i32 {
        %mul3A_236 = arith.constant 32 : i32
        %mul3A_237 = arith.muli %scan3A_234, %mul3A_236 : i32
        %add3A_238 = arith.constant 0 : i32
        %add3A_239 = arith.addi %mul3A_237, %add3A_238 : i32
        %get3A = arith.index_cast %add3A_239 : i32 to index
        %get3A_240 = tpu.vector_load %arg8[%get3A] {strides = array<i32>} : memref<4000xi32, #tpu.memory_space<vmem>>, vector<16xi32>,
        %mul3A_241 = arith.constant 32 : i32
        %mul3A_242 = arith.muli %scan3A_234, %mul3A_241 : i32
        %add3A_243 = arith.constant 0 : i32
        %add3A_244 = arith.addi %mul3A_242, %add3A_243 : i32
        %get3A_245 = arith.index_cast %add3A_244 : i32 to index
        %get3A_246 = tpu.vector_load %arg10[%get3A_245] {strides = array<i32>} : memref<4000xi32, #tpu.memory_space<vmem>>, vector<16xi32>,
        %mul3A_247 = arith.constant 32 : i32
        %mul3A_248 = arith.muli %scan3A_234, %mul3A_247 : i32
        %add3A_249 = arith.constant 0 : i32
        %add3A_250 = arith.addi %mul3A_248, %add3A_249 : i32
        %get3A_251 = arith.index_cast %add3A_250 : i32 to index
        %get3A_252 = tpu.vector_load %arg12[%get3A_251] {strides = array<i32>} : memref<4000xf32, #tpu.memory_space<vmem>>, vector<16xf32>,
        %sub3A_253 = vector.broadcast %mul3A_0 : i32 to vector<16xi32>
        %sub3A_254 = arith.subi %get3A_240, %sub3A_253 : vector<16xi32>
        %bitcast3A = vector.bitcast %sub3A_254 : vector<16xi32> to vector<16xi32>
        %lt3A_255 = vector.broadcast %select_n3A : i32 to vector<16xi32>
        %lt3A_256 = arith.cmpi ult, %bitcast3A, %lt3A_255 : vector<16xi32>
        tpu.vector_store_idx %arg7[%sub3A_254, %get3A_246], %get3A_252 masked %lt3A_256 : memref<64x1000xf32, #tpu.memory_space<vmem>>[vector<16xi32>, vector<16xi32>], vector<16xf32>, vector<16xi1>
        %mul3A_257 = arith.constant 32 : i32
        %mul3A_258 = arith.muli %scan3A_234, %mul3A_257 : i32
        %add3A_259 = arith.constant 16 : i32
        %add3A_260 = arith.addi %mul3A_258, %add3A_259 : i32
        %get3A_261 = arith.index_cast %add3A_260 : i32 to index
        %get3A_262 = tpu.vector_load %arg8[%get3A_261] {strides = array<i32>} : memref<4000xi32, #tpu.memory_space<vmem>>, vector<16xi32>,
        %mul3A_263 = arith.constant 32 : i32
        %mul3A_264 = arith.muli %scan3A_234, %mul3A_263 : i32
        %add3A_265 = arith.constant 16 : i32
        %add3A_266 = arith.addi %mul3A_264, %add3A_265 : i32
        %get3A_267 = arith.index_cast %add3A_266 : i32 to index
        %get3A_268 = tpu.vector_load %arg10[%get3A_267] {strides = array<i32>} : memref<4000xi32, #tpu.memory_space<vmem>>, vector<16xi32>,
        %mul3A_269 = arith.constant 32 : i32
        %mul3A_270 = arith.muli %scan3A_234, %mul3A_269 : i32
        %add3A_271 = arith.constant 16 : i32
        %add3A_272 = arith.addi %mul3A_270, %add3A_271 : i32
        %get3A_273 = arith.index_cast %add3A_272 : i32 to index
        %get3A_274 = tpu.vector_load %arg12[%get3A_273] {strides = array<i32>} : memref<4000xf32, #tpu.memory_space<vmem>>, vector<16xf32>,
        %sub3A_275 = vector.broadcast %mul3A_0 : i32 to vector<16xi32>
        %sub3A_276 = arith.subi %get3A_262, %sub3A_275 : vector<16xi32>
        %bitcast3A_277 = vector.bitcast %sub3A_276 : vector<16xi32> to vector<16xi32>
        %lt3A_278 = vector.broadcast %select_n3A : i32 to vector<16xi32>
        %lt3A_279 = arith.cmpi ult, %bitcast3A_277, %lt3A_278 : vector<16xi32>
        tpu.vector_store_idx %arg7[%sub3A_276, %get3A_268], %get3A_274 masked %lt3A_279 : memref<64x1000xf32, #tpu.memory_space<vmem>>[vector<16xi32>, vector<16xi32>], vector<16xf32>, vector<16xi1>
        %scan3A_280 = arith.constant 0 : i32
        scf.yield %scan3A_280 : i32
      }
      %scan3A_209 = arith.constant 125 : i32
      %dma_wait3A_210 = tpu.memref_slice %arg2[%multiple_of3A_32] : memref<512000xi32, #tpu.memory_space<hbm>> -> memref<4000xi32, #tpu.memory_space<hbm>>
      %dma_wait3A_211 = tpu.memref_slice %arg2[%multiple_of3A_32] : memref<512000xi32, #tpu.memory_space<hbm>> -> memref<4000xi32, #tpu.memory_space<hbm>>
      tpu.wait_dma2 semaphore(%arg15 : memref<!tpu.dma_semaphore, #tpu.memory_space<semaphore_mem>>) src(%dma_wait3A_211 : memref<4000xi32, #tpu.memory_space<hbm>>) dst(%arg9 : memref<4000xi32, #tpu.memory_space<vmem>>)
      %dma_wait3A_212 = tpu.memref_slice %arg3[%multiple_of3A_32] : memref<512000xi32, #tpu.memory_space<hbm>> -> memref<4000xi32, #tpu.memory_space<hbm>>
      %dma_wait3A_213 = tpu.memref_slice %arg3[%multiple_of3A_32] : memref<512000xi32, #tpu.memory_space<hbm>> -> memref<4000xi32, #tpu.memory_space<hbm>>
      tpu.wait_dma2 semaphore(%arg15 : memref<!tpu.dma_semaphore, #tpu.memory_space<semaphore_mem>>) src(%dma_wait3A_213 : memref<4000xi32, #tpu.memory_space<hbm>>) dst(%arg11 : memref<4000xi32, #tpu.memory_space<vmem>>)
      %dma_wait3A_214 = tpu.memref_slice %arg4[%multiple_of3A_32] : memref<512000xf32, #tpu.memory_space<hbm>> -> memref<4000xf32, #tpu.memory_space<hbm>>
      %dma_wait3A_215 = tpu.memref_slice %arg4[%multiple_of3A_32] : memref<512000xf32, #tpu.memory_space<hbm>> -> memref<4000xf32, #tpu.memory_space<hbm>>
      tpu.wait_dma2 semaphore(%arg15 : memref<!tpu.dma_semaphore, #tpu.memory_space<semaphore_mem>>) src(%dma_wait3A_215 : memref<4000xf32, #tpu.memory_space<hbm>>) dst(%arg13 : memref<4000xf32, #tpu.memory_space<vmem>>)
      %scan3A_216 = arith.constant 0 : i32
      %scan3A_217 = arith.constant 0 : i32
      %scan3A_218 = arith.constant 125 : i32
      %scan3A_219 = arith.addi %scan3A_217, %scan3A_218 : i32
      %scan3A_220 = arith.constant 1 : i32
      %scan3A_221 = scf.for %scan3A_234 = %scan3A_217 to %scan3A_219 step %scan3A_220 iter_args(%scan3A_235 = %scan3A_216) -> (i32)  : i32 {
        %mul3A_236 = arith.constant 32 : i32
        %mul3A_237 = arith.muli %scan3A_234, %mul3A_236 : i32
        %add3A_238 = arith.constant 0 : i32
        %add3A_239 = arith.addi %mul3A_237, %add3A_238 : i32
        %get3A = arith.index_cast %add3A_239 : i32 to index
        %get3A_240 = tpu.vector_load %arg9[%get3A] {strides = array<i32>} : memref<4000xi32, #tpu.memory_space<vmem>>, vector<16xi32>,
        %mul3A_241 = arith.constant 32 : i32
        %mul3A_242 = arith.muli %scan3A_234, %mul3A_241 : i32
        %add3A_243 = arith.constant 0 : i32
        %add3A_244 = arith.addi %mul3A_242, %add3A_243 : i32
        %get3A_245 = arith.index_cast %add3A_244 : i32 to index
        %get3A_246 = tpu.vector_load %arg11[%get3A_245] {strides = array<i32>} : memref<4000xi32, #tpu.memory_space<vmem>>, vector<16xi32>,
        %mul3A_247 = arith.constant 32 : i32
        %mul3A_248 = arith.muli %scan3A_234, %mul3A_247 : i32
        %add3A_249 = arith.constant 0 : i32
        %add3A_250 = arith.addi %mul3A_248, %add3A_249 : i32
        %get3A_251 = arith.index_cast %add3A_250 : i32 to index
        %get3A_252 = tpu.vector_load %arg13[%get3A_251] {strides = array<i32>} : memref<4000xf32, #tpu.memory_space<vmem>>, vector<16xf32>,
        %sub3A_253 = vector.broadcast %mul3A_0 : i32 to vector<16xi32>
        %sub3A_254 = arith.subi %get3A_240, %sub3A_253 : vector<16xi32>
        %bitcast3A = vector.bitcast %sub3A_254 : vector<16xi32> to vector<16xi32>
        %lt3A_255 = vector.broadcast %select_n3A : i32 to vector<16xi32>
        %lt3A_256 = arith.cmpi ult, %bitcast3A, %lt3A_255 : vector<16xi32>
        tpu.vector_store_idx %arg7[%sub3A_254, %get3A_246], %get3A_252 masked %lt3A_256 : memref<64x1000xf32, #tpu.memory_space<vmem>>[vector<16xi32>, vector<16xi32>], vector<16xf32>, vector<16xi1>
        %mul3A_257 = arith.constant 32 : i32
        %mul3A_258 = arith.muli %scan3A_234, %mul3A_257 : i32
        %add3A_259 = arith.constant 16 : i32
        %add3A_260 = arith.addi %mul3A_258, %add3A_259 : i32
        %get3A_261 = arith.index_cast %add3A_260 : i32 to index
        %get3A_262 = tpu.vector_load %arg9[%get3A_261] {strides = array<i32>} : memref<4000xi32, #tpu.memory_space<vmem>>, vector<16xi32>,
        %mul3A_263 = arith.constant 32 : i32
        %mul3A_264 = arith.muli %scan3A_234, %mul3A_263 : i32
        %add3A_265 = arith.constant 16 : i32
        %add3A_266 = arith.addi %mul3A_264, %add3A_265 : i32
        %get3A_267 = arith.index_cast %add3A_266 : i32 to index
        %get3A_268 = tpu.vector_load %arg11[%get3A_267] {strides = array<i32>} : memref<4000xi32, #tpu.memory_space<vmem>>, vector<16xi32>,
        %mul3A_269 = arith.constant 32 : i32
        %mul3A_270 = arith.muli %scan3A_234, %mul3A_269 : i32
        %add3A_271 = arith.constant 16 : i32
        %add3A_272 = arith.addi %mul3A_270, %add3A_271 : i32
        %get3A_273 = arith.index_cast %add3A_272 : i32 to index
        %get3A_274 = tpu.vector_load %arg13[%get3A_273] {strides = array<i32>} : memref<4000xf32, #tpu.memory_space<vmem>>, vector<16xf32>,
        %sub3A_275 = vector.broadcast %mul3A_0 : i32 to vector<16xi32>
        %sub3A_276 = arith.subi %get3A_262, %sub3A_275 : vector<16xi32>
        %bitcast3A_277 = vector.bitcast %sub3A_276 : vector<16xi32> to vector<16xi32>
        %lt3A_278 = vector.broadcast %select_n3A : i32 to vector<16xi32>
        %lt3A_279 = arith.cmpi ult, %bitcast3A_277, %lt3A_278 : vector<16xi32>
        tpu.vector_store_idx %arg7[%sub3A_276, %get3A_268], %get3A_274 masked %lt3A_279 : memref<64x1000xf32, #tpu.memory_space<vmem>>[vector<16xi32>, vector<16xi32>], vector<16xf32>, vector<16xi1>
        %scan3A_280 = arith.constant 0 : i32
        scf.yield %scan3A_280 : i32
      }
      %scan3A_222 = arith.constant 125 : i32
      %lt3A_223 = arith.constant 15 : i32
      %lt3A_224 = arith.cmpi slt, %arg1, %lt3A_223 : i32
      %convert_element_type3A_225 = arith.extui %lt3A_224 : i1 to i32
      %cond3A_226 = arith.constant 0 : i32
      %cond3A_227 = arith.cmpi ne, %convert_element_type3A_225, %cond3A_226 : i32
      scf.if %cond3A_227 {
        %dma_start3A_234 = arith.constant 0 : i32
        %dma_start3A_235 = tpu.memref_slice %arg6[%multiple_of3A_38, %dma_start3A_234] : memref<16000x1000xf32, #tpu.memory_space<hbm>> -> memref<64x1000xf32, #tpu.memory_space<hbm>>
        %dma_start3A_236 = arith.constant 0 : i32
        %dma_start3A_237 = tpu.memref_slice %arg6[%multiple_of3A_38, %dma_start3A_236] : memref<16000x1000xf32, #tpu.memory_space<hbm>> -> memref<64x1000xf32, #tpu.memory_space<hbm>>
        tpu.enqueue_dma source(%arg7 : memref<64x1000xf32, #tpu.memory_space<vmem>>) target(%dma_start3A_237 : memref<64x1000xf32, #tpu.memory_space<hbm>>) target_semaphore(%arg16 : memref<!tpu.dma_semaphore, #tpu.memory_space<semaphore_mem>>)
      } else {
      }
      %eq3A_228 = arith.constant 15 : i32
      %eq3A_229 = arith.cmpi eq, %arg1, %eq3A_228 : i32
      %convert_element_type3A_230 = arith.extui %eq3A_229 : i1 to i32
      %cond3A_231 = arith.constant 0 : i32
      %cond3A_232 = arith.cmpi ne, %convert_element_type3A_230, %cond3A_231 : i32
      scf.if %cond3A_232 {
        %dma_start3A_234 = arith.constant 0 : i32
        %dma_start3A_235 = arith.constant 0 : i32
        %dma_start3A_236 = tpu.memref_slice %arg7[%dma_start3A_234, %dma_start3A_235] : memref<64x1000xf32, #tpu.memory_space<vmem>> -> memref<40x1000xf32, #tpu.memory_space<vmem>>
        %dma_start3A_237 = arith.constant 0 : i32
        %dma_start3A_238 = tpu.memref_slice %arg6[%multiple_of3A_38, %dma_start3A_237] : memref<16000x1000xf32, #tpu.memory_space<hbm>> -> memref<40x1000xf32, #tpu.memory_space<hbm>>
        %dma_start3A_239 = arith.constant 0 : i32
        %dma_start3A_240 = tpu.memref_slice %arg6[%multiple_of3A_38, %dma_start3A_239] : memref<16000x1000xf32, #tpu.memory_space<hbm>> -> memref<40x1000xf32, #tpu.memory_space<hbm>>
        %dma_start3A_241 = arith.constant 0 : i32
        %dma_start3A_242 = arith.constant 0 : i32
        %dma_start3A_243 = tpu.memref_slice %arg7[%dma_start3A_241, %dma_start3A_242] : memref<64x1000xf32, #tpu.memory_space<vmem>> -> memref<40x1000xf32, #tpu.memory_space<vmem>>
        tpu.enqueue_dma source(%dma_start3A_243 : memref<40x1000xf32, #tpu.memory_space<vmem>>) target(%dma_start3A_240 : memref<40x1000xf32, #tpu.memory_space<hbm>>) target_semaphore(%arg16 : memref<!tpu.dma_semaphore, #tpu.memory_space<semaphore_mem>>)
      } else {
      }
      %scan3A_233 = arith.constant 0 : i32
      scf.yield %scan3A_233 : i32
    }
    %scan3A_8 = arith.constant 8 : i32
    %mul3A_9 = arith.constant 8 : i32
    %mul3A_10 = arith.muli %arg0, %mul3A_9 : i32
    %add3A = arith.constant 8 : i32
    %add3A_11 = arith.addi %mul3A_10, %add3A : i32
    %sub3A = arith.constant 1 : i32
    %sub3A_12 = arith.subi %add3A_11, %sub3A : i32
    %mul3A_13 = arith.constant 1000 : i32
    %mul3A_14 = arith.muli %sub3A_12, %mul3A_13 : i32
    %mul3A_15 = arith.constant 64 : i32
    %mul3A_16 = arith.muli %arg1, %mul3A_15 : i32
    %add3A_17 = arith.addi %mul3A_14, %mul3A_16 : i32
    %multiple_of3A = tpu.assume_multiple %add3A_17, 8 : i32
    %lt3A_18 = arith.constant 15 : i32
    %lt3A_19 = arith.cmpi slt, %arg1, %lt3A_18 : i32
    %convert_element_type3A = arith.extui %lt3A_19 : i1 to i32
    %cond3A = arith.constant 0 : i32
    %cond3A_20 = arith.cmpi ne, %convert_element_type3A, %cond3A : i32
    scf.if %cond3A_20 {
      %dma_wait3A = arith.constant 0 : i32
      %dma_wait3A_25 = tpu.memref_slice %arg6[%multiple_of3A, %dma_wait3A] : memref<16000x1000xf32, #tpu.memory_space<hbm>> -> memref<64x1000xf32, #tpu.memory_space<hbm>>
      %dma_wait3A_26 = arith.constant 0 : i32
      %dma_wait3A_27 = tpu.memref_slice %arg6[%multiple_of3A, %dma_wait3A_26] : memref<16000x1000xf32, #tpu.memory_space<hbm>> -> memref<64x1000xf32, #tpu.memory_space<hbm>>
      tpu.wait_dma2 semaphore(%arg16 : memref<!tpu.dma_semaphore, #tpu.memory_space<semaphore_mem>>) src(%arg7 : memref<64x1000xf32, #tpu.memory_space<vmem>>) dst(%dma_wait3A_27 : memref<64x1000xf32, #tpu.memory_space<hbm>>)
    } else {
    }
    %eq3A = arith.constant 15 : i32
    %eq3A_21 = arith.cmpi eq, %arg1, %eq3A : i32
    %convert_element_type3A_22 = arith.extui %eq3A_21 : i1 to i32
    %cond3A_23 = arith.constant 0 : i32
    %cond3A_24 = arith.cmpi ne, %convert_element_type3A_22, %cond3A_23 : i32
    scf.if %cond3A_24 {
      %dma_wait3A = arith.constant 0 : i32
      %dma_wait3A_25 = arith.constant 0 : i32
      %dma_wait3A_26 = tpu.memref_slice %arg7[%dma_wait3A, %dma_wait3A_25] : memref<64x1000xf32, #tpu.memory_space<vmem>> -> memref<40x1000xf32, #tpu.memory_space<vmem>>
      %dma_wait3A_27 = arith.constant 0 : i32
      %dma_wait3A_28 = tpu.memref_slice %arg6[%multiple_of3A, %dma_wait3A_27] : memref<16000x1000xf32, #tpu.memory_space<hbm>> -> memref<40x1000xf32, #tpu.memory_space<hbm>>
      %dma_wait3A_29 = arith.constant 0 : i32
      %dma_wait3A_30 = tpu.memref_slice %arg6[%multiple_of3A, %dma_wait3A_29] : memref<16000x1000xf32, #tpu.memory_space<hbm>> -> memref<40x1000xf32, #tpu.memory_space<hbm>>
      %dma_wait3A_31 = arith.constant 0 : i32
      %dma_wait3A_32 = arith.constant 0 : i32
      %dma_wait3A_33 = tpu.memref_slice %arg7[%dma_wait3A_31, %dma_wait3A_32] : memref<64x1000xf32, #tpu.memory_space<vmem>> -> memref<40x1000xf32, #tpu.memory_space<vmem>>
      tpu.wait_dma2 semaphore(%arg16 : memref<!tpu.dma_semaphore, #tpu.memory_space<semaphore_mem>>) src(%dma_wait3A_33 : memref<40x1000xf32, #tpu.memory_space<vmem>>) dst(%dma_wait3A_30 : memref<40x1000xf32, #tpu.memory_space<hbm>>)
    } else {
    }
    return
  }
}

module attributes {stable_mosaic.version = 14 : i64} {
  func.func @_mlp_body(%arg0: i32, %arg1: memref<16000x128xf32, #tpu.memory_space<vmem>>, %arg2: memref<128x128xf32, #tpu.memory_space<vmem>>, %arg3: memref<128xf32, #tpu.memory_space<vmem>>, %arg4: memref<128x128xf32, #tpu.memory_space<vmem>>, %arg5: memref<128xf32, #tpu.memory_space<vmem>>, %arg6: memref<1x128xf32, #tpu.memory_space<vmem>>, %arg7: memref<1xf32, #tpu.memory_space<vmem>>, %arg8: memref<1x1x16000xf32, #tpu.memory_space<vmem>>) attributes {dimension_semantics = [#tpu.dimension_semantics<arbitrary>], iteration_bounds = array<i64: 32>, scalar_prefetch = 0 : i64, scratch_operands = 0 : i64, tpu.core_type = #tpu.core_type<tc>, window_params = [{transform_indices = @transform_0, window_bounds = array<i64: 16000, 128>}, {pipeline_mode = #tpu.pipeline_mode<synchronous>, transform_indices = @transform_1, window_bounds = array<i64: 128, 128>}, {pipeline_mode = #tpu.pipeline_mode<synchronous>, transform_indices = @transform_2, window_bounds = array<i64: 128>}, {pipeline_mode = #tpu.pipeline_mode<synchronous>, transform_indices = @transform_3, window_bounds = array<i64: 128, 128>}, {pipeline_mode = #tpu.pipeline_mode<synchronous>, transform_indices = @transform_4, window_bounds = array<i64: 128>}, {pipeline_mode = #tpu.pipeline_mode<synchronous>, transform_indices = @transform_5, window_bounds = array<i64: 1, 128>}, {pipeline_mode = #tpu.pipeline_mode<synchronous>, transform_indices = @transform_6, window_bounds = array<i64: 1>}, {transform_indices = @transform_7, window_bounds = array<i64: 1, 1, 16000>}]} {
    %get3A = arith.constant 0 : index
    %get3A_0 = arith.constant 0 : index
    %get3A_1 = vector.load %arg2[%get3A, %get3A_0] : memref<128x128xf32, #tpu.memory_space<vmem>>, vector<128x128xf32>
    %convert_element_type3A = arith.truncf %get3A_1 : vector<128x128xf32> to vector<128x128xbf16>
    %get3A_2 = arith.constant 0 : index
    %get3A_3 = arith.constant 0 : index
    %get3A_4 = vector.load %arg4[%get3A_2, %get3A_3] : memref<128x128xf32, #tpu.memory_space<vmem>>, vector<128x128xf32>
    %convert_element_type3A_5 = arith.truncf %get3A_4 : vector<128x128xf32> to vector<128x128xbf16>
    %get3A_6 = arith.constant 0 : index
    %get3A_7 = arith.constant 0 : index
    %get3A_8 = vector.load %arg1[%get3A_6, %get3A_7] : memref<16000x128xf32, #tpu.memory_space<vmem>>, vector<16000x128xf32>
    %convert_element_type3A_9 = arith.truncf %get3A_8 : vector<16000x128xf32> to vector<16000x128xbf16>
    %dot_general3A = arith.constant dense<0.000000e+00> : vector<16000x128xf32>
    %dot_general3A_10 = tpu.matmul %convert_element_type3A_9, %convert_element_type3A, %dot_general3A {dimension_numbers = #tpu.dot_dimension_numbers<[1], [1], [0], [0], [0, 0, 1, 0], [], []>, transpose_lhs_hint = false} : vector<16000x128xbf16>, vector<128x128xbf16>, vector<16000x128xf32> -> vector<16000x128xf32>
    %get3A_11 = arith.constant 0 : index
    %get3A_12 = vector.load %arg3[%get3A_11] : memref<128xf32, #tpu.memory_space<vmem>>, vector<128xf32>
    %broadcast_in_dim3A = vector.shape_cast %get3A_12 : vector<128xf32> to vector<1x128xf32>
    %add3A = vector.broadcast %broadcast_in_dim3A : vector<1x128xf32> to vector<16000x128xf32>
    %add3A_13 = arith.addf %dot_general3A_10, %add3A : vector<16000x128xf32>
    %convert_element_type3A_14 = arith.truncf %add3A_13 : vector<16000x128xf32> to vector<16000x128xbf16>
    %logistic3A = arith.negf %convert_element_type3A_14 : vector<16000x128xbf16>
    %logistic3A_15 = math.exp %logistic3A : vector<16000x128xbf16>
    %logistic3A_16 = arith.constant 1.000000e+00 : bf16
    %logistic3A_17 = vector.broadcast %logistic3A_16 : bf16 to vector<16000x128xbf16>
    %logistic3A_18 = arith.addf %logistic3A_17, %logistic3A_15 : vector<16000x128xbf16>
    %logistic3A_19 = arith.divf %logistic3A_17, %logistic3A_18 : vector<16000x128xbf16>
    %mul3A = arith.mulf %convert_element_type3A_14, %logistic3A_19 : vector<16000x128xbf16>
    %dot_general3A_20 = arith.constant dense<0.000000e+00> : vector<16000x128xf32>
    %dot_general3A_21 = tpu.matmul %mul3A, %convert_element_type3A_5, %dot_general3A_20 {dimension_numbers = #tpu.dot_dimension_numbers<[1], [1], [0], [0], [0, 0, 1, 0], [], []>, transpose_lhs_hint = false} : vector<16000x128xbf16>, vector<128x128xbf16>, vector<16000x128xf32> -> vector<16000x128xf32>
    %get3A_22 = arith.constant 0 : index
    %get3A_23 = vector.load %arg5[%get3A_22] : memref<128xf32, #tpu.memory_space<vmem>>, vector<128xf32>
    %broadcast_in_dim3A_24 = vector.shape_cast %get3A_23 : vector<128xf32> to vector<1x128xf32>
    %add3A_25 = vector.broadcast %broadcast_in_dim3A_24 : vector<1x128xf32> to vector<16000x128xf32>
    %add3A_26 = arith.addf %dot_general3A_21, %add3A_25 : vector<16000x128xf32>
    %convert_element_type3A_27 = arith.truncf %add3A_26 : vector<16000x128xf32> to vector<16000x128xbf16>
    %logistic3A_28 = arith.negf %convert_element_type3A_27 : vector<16000x128xbf16>
    %logistic3A_29 = math.exp %logistic3A_28 : vector<16000x128xbf16>
    %logistic3A_30 = arith.constant 1.000000e+00 : bf16
    %logistic3A_31 = vector.broadcast %logistic3A_30 : bf16 to vector<16000x128xbf16>
    %logistic3A_32 = arith.addf %logistic3A_31, %logistic3A_29 : vector<16000x128xbf16>
    %logistic3A_33 = arith.divf %logistic3A_31, %logistic3A_32 : vector<16000x128xbf16>
    %mul3A_34 = arith.mulf %convert_element_type3A_27, %logistic3A_33 : vector<16000x128xbf16>
    %convert_element_type3A_35 = arith.extf %mul3A_34 : vector<16000x128xbf16> to vector<16000x128xf32>
    %get3A_36 = arith.constant 0 : index
    %get3A_37 = arith.constant 0 : index
    %get3A_38 = vector.load %arg6[%get3A_36, %get3A_37] : memref<1x128xf32, #tpu.memory_space<vmem>>, vector<1x128xf32>
    %dot_general3A_39 = arith.constant dense<0.000000e+00> : vector<1x16000xf32>
    %dot_general3A_40 = tpu.matmul %get3A_38, %convert_element_type3A_35, %dot_general3A_39 {dimension_numbers = #tpu.dot_dimension_numbers<[1], [1], [0], [0], [0, 0, 1, 0], [], []>, transpose_lhs_hint = false} : vector<1x128xf32>, vector<16000x128xf32>, vector<1x16000xf32> -> vector<1x16000xf32>
    %get3A_41 = arith.constant 0 : index
    %get3A_42 = vector.load %arg7[%get3A_41] : memref<1xf32, #tpu.memory_space<vmem>>, vector<1xf32>
    %broadcast_in_dim3A_43 = vector.shape_cast %get3A_42 : vector<1xf32> to vector<1x1xf32>
    %add3A_44 = vector.broadcast %broadcast_in_dim3A_43 : vector<1x1xf32> to vector<1x16000xf32>
    %add3A_45 = arith.addf %dot_general3A_40, %add3A_44 : vector<1x16000xf32>
    %logistic3A_46 = arith.negf %add3A_45 : vector<1x16000xf32>
    %logistic3A_47 = math.exp %logistic3A_46 : vector<1x16000xf32>
    %logistic3A_48 = arith.constant 1.000000e+00 : f32
    %logistic3A_49 = vector.broadcast %logistic3A_48 : f32 to vector<1x16000xf32>
    %logistic3A_50 = arith.addf %logistic3A_49, %logistic3A_47 : vector<1x16000xf32>
    %logistic3A_51 = arith.divf %logistic3A_49, %logistic3A_50 : vector<1x16000xf32>
    %mul3A_52 = arith.constant 5.000000e+00 : f32
    %mul3A_53 = vector.broadcast %mul3A_52 : f32 to vector<1x16000xf32>
    %mul3A_54 = arith.mulf %logistic3A_51, %mul3A_53 : vector<1x16000xf32>
    %swap3A = arith.constant 0 : index
    %swap3A_55 = arith.constant 0 : index
    %swap3A_56 = arith.constant 0 : index
    %swap3A_57 = vector.load %arg8[%swap3A, %swap3A_55, %swap3A_56] : memref<1x1x16000xf32, #tpu.memory_space<vmem>>, vector<1x1x16000xf32>
    %swap3A_58 = vector.shape_cast %swap3A_57 : vector<1x1x16000xf32> to vector<1x16000xf32>
    %swap3A_59 = vector.shape_cast %mul3A_54 : vector<1x16000xf32> to vector<1x1x16000xf32>
    tpu.vector_store %arg8[%swap3A, %swap3A_55, %swap3A_56], %swap3A_59 {strides = array<i32>} : memref<1x1x16000xf32, #tpu.memory_space<vmem>>, vector<1x1x16000xf32>,
    return
  }
  func.func @transform_0(%arg0: i32) -> (i32, i32) {
    %c0_i32 = arith.constant 0 : i32
    %c0_i32_0 = arith.constant 0 : i32
    return %arg0, %c0_i32 : i32, i32
  }
  func.func @transform_1(%arg0: i32) -> (i32, i32) {
    %c0_i32 = arith.constant 0 : i32
    %c0_i32_0 = arith.constant 0 : i32
    %c0_i32_1 = arith.constant 0 : i32
    return %c0_i32, %c0_i32_0 : i32, i32
  }
  func.func @transform_2(%arg0: i32) -> i32 {
    %c0_i32 = arith.constant 0 : i32
    %c0_i32_0 = arith.constant 0 : i32
    return %c0_i32 : i32
  }
  func.func @transform_3(%arg0: i32) -> (i32, i32) {
    %c0_i32 = arith.constant 0 : i32
    %c0_i32_0 = arith.constant 0 : i32
    %c0_i32_1 = arith.constant 0 : i32
    return %c0_i32, %c0_i32_0 : i32, i32
  }
  func.func @transform_4(%arg0: i32) -> i32 {
    %c0_i32 = arith.constant 0 : i32
    %c0_i32_0 = arith.constant 0 : i32
    return %c0_i32 : i32
  }
  func.func @transform_5(%arg0: i32) -> (i32, i32) {
    %c0_i32 = arith.constant 0 : i32
    %c0_i32_0 = arith.constant 0 : i32
    %c0_i32_1 = arith.constant 0 : i32
    return %c0_i32, %c0_i32_0 : i32, i32
  }
  func.func @transform_6(%arg0: i32) -> i32 {
    %c0_i32 = arith.constant 0 : i32
    %c0_i32_0 = arith.constant 0 : i32
    return %c0_i32 : i32
  }
  func.func @transform_7(%arg0: i32) -> (i32, i32, i32) {
    %c0_i32 = arith.constant 0 : i32
    %c0_i32_0 = arith.constant 0 : i32
    %c0_i32_1 = arith.constant 0 : i32
    return %arg0, %c0_i32, %c0_i32_0 : i32, i32, i32
  }
}

module attributes {stable_mosaic.version = 14 : i64} {
  func.func @_sym_body(%arg0: i32, %arg1: memref<1000x1000xf32, #tpu.memory_space<vmem>>, %arg2: memref<1x1000x1000xf32, #tpu.memory_space<vmem>>) attributes {dimension_semantics = [#tpu.dimension_semantics<arbitrary>], iteration_bounds = array<i64: 16>, scalar_prefetch = 0 : i64, scratch_operands = 0 : i64, tpu.core_type = #tpu.core_type<tc>, window_params = [{transform_indices = @transform_0, window_bounds = array<i64: 1000, 1000>}, {transform_indices = @transform_1, window_bounds = array<i64: 1, 1000, 1000>}]} {
    %get3A = arith.constant 0 : index
    %get3A_0 = arith.constant 0 : index
    %get3A_1 = vector.load %arg1[%get3A, %get3A_0] : memref<1000x1000xf32, #tpu.memory_space<vmem>>, vector<1000x1000xf32>
    %transpose3A = tpu.transpose %get3A_1, [1, 0] : vector<1000x1000xf32> -> vector<1000x1000xf32>
    %add3A = arith.addf %get3A_1, %transpose3A : vector<1000x1000xf32>
    %swap3A = arith.constant 0 : index
    %swap3A_2 = arith.constant 0 : index
    %swap3A_3 = arith.constant 0 : index
    %swap3A_4 = vector.load %arg2[%swap3A, %swap3A_2, %swap3A_3] : memref<1x1000x1000xf32, #tpu.memory_space<vmem>>, vector<1x1000x1000xf32>
    %swap3A_5 = vector.shape_cast %swap3A_4 : vector<1x1000x1000xf32> to vector<1000x1000xf32>
    %swap3A_6 = vector.shape_cast %add3A : vector<1000x1000xf32> to vector<1x1000x1000xf32>
    tpu.vector_store %arg2[%swap3A, %swap3A_2, %swap3A_3], %swap3A_6 {strides = array<i32>} : memref<1x1000x1000xf32, #tpu.memory_space<vmem>>, vector<1x1000x1000xf32>,
    return
  }
  func.func @transform_0(%arg0: i32) -> (i32, i32) {
    %c0_i32 = arith.constant 0 : i32
    %c0_i32_0 = arith.constant 0 : i32
    return %arg0, %c0_i32 : i32, i32
  }
  func.func @transform_1(%arg0: i32) -> (i32, i32, i32) {
    %c0_i32 = arith.constant 0 : i32
    %c0_i32_0 = arith.constant 0 : i32
    %c0_i32_1 = arith.constant 0 : i32
    return %arg0, %c0_i32, %c0_i32_0 : i32, i32, i32
  }
}

</mosaic_0001>

<sc_bundles>
// kernel: kernel.5.cloned.1.call-start
scs
__scs_entry_jumppad:
0x0: {  	(pc) =	sbr.rel $0x88, $3  }
0x1: {  	(tag) =	ssettag $0x0;
	lr =	simm.s32 $0x1  }
0x2: {  	[smem:$0x3F99] =	sst lr;
	_ =	strace $0xD0000000  }
0x3: {  	_ = 	snop  }
0x4: {  	_ = 	snop  }
0x5: {  	_ = 	snop  }
0x6: {  	_ = 	snop  }
0x7: {  	_ = 	snop  }
__scs_overlays_trampoline_lowered:
0x8: {  	[smem:$0x3FA8] =	sst s0  }
0x9: {  	[smem:$0x3FA9] =	sst s1  }
0xa: {  	[smem:$0x3FAA] =	sst s2  }
0xb: {  	[smem:$0x3FAB] =	sst s3  }
0xc: {  	[smem:$0x3FAC] =	sst s4  }
0xd: {  	[smem:$0x3FAD] =	sst s5  }
0xe: {  	[smem:$0x3FAE] =	sst s6  }
0xf: {  	[smem:$0x3FAF] =	sst s7  }
0x10: {  	[smem:$0x3FB0] =	sst s8  }
0x11: {  	[smem:$0x3FB1] =	sst s9;
	s0 =	simm.s32 @!p0 $0x0  }
0x12: {  	s1 =	sld [smem:$0x3F97];
	s0 =	simm.s32 @p0 $0x1  }
0x13: {  	[smem:$0x3FB2] =	sst s0;
	s0 =	simm.s32 @!p1 $0x0  }
0x14: {  	s2 =	sld [smem:$0x3F96];
	s0 =	simm.s32 @p1 $0x1  }
0x15: {  	[smem:$0x3FB3] =	sst s0;
	s0 =	simm.s32 @!p2 $0x0  }
0x16: {  	s3 =	sld [smem:$0x3FDB];
	s0 =	simm.s32 @p2 $0x1  }
0x17: {  	s4 =	simm.s32 $0x1BF5;
	[smem:$0x3FB5] =	sst s0  }
0x18: {  	s0 =	sld [smem:$0x3F98];
	_ =	swait.ge [sflag:s4], $0x0  }
0x19: {  	s7 =	sld [smem:$0x3F99]  }
0x1a: {  	s8 =	sadd.s32 $0xFFFFE003, lr  }
0x1b: {  	s9 =	sadd.s32 $0xFFFFFEF7, lr;
	s5 =	simm.s32 $0xFFFFFFFF;
	p2 =	slt.u32 s8, $0xFFFFF086  }
0x1c: {  	p1 =	slt.u32 s9, $0xF7A;
	s5 =	simm.s32 @!p2 $0x0  }
0x1d: {  	s5 =	simm.s32 @p1 $0x1;
	p0 =	seq.s32 s7, s2  }
0x1e: {  	s7 =	smul.u32 @!p0 $0xF7A, s2;
	p2 =	seq.s32 @!p0 s5, $0x0  }
0x1f: {  	s9 =	smul.u32 $0xF7A, s1;
	s8 =	simm.s32 @!p0 $0x1BF5;
	p2 =	por !p2, p0  }
0x20: {  	[sflag:s8] =	ssyncset.s32 @!p0 $0xFFFFF086;
	s6 =	sadd.s32 @!p0 s3, s7;
	s7 =	simm.s32 @!p0 $0x108  }
0x21: {  	s3 =	sadd.s32 s3, s9;
	s6 =	sadd.s32 @!p0 $0x88, s6;
	s7 =	simm.s32 @p2 $0x1082  }
0x22: {  	[simem:s7], [sflag:s8] =	dma.local @!p0 [hbm:s6], $0xF7A  }
0x23: {  	s9 =	sor.u32 $0xD0000000, s2;
	s6 =	simm.s32 $0x108;
	_ =	swait.ge @!p0 [sflag:s8], $0x0  }
0x24: {  	s3 =	sadd.s32 $0x88, s3;
	s6 =	simm.s32 @!p1 $0x1082;
	[sflag:s4] =	ssyncset.s32 $0xFFFFF086  }
0x25: {  	[simem:s6], [sflag:s4] =	dma.local [hbm:s3], $0xF7A  }
0x26: {  	[smem:$0x3F99] =	sst s1;
	(tag) =	ssettag s2;
	_ =	strace s9  }
0x27: {  	s1 =	sld [smem:$0x3FA9]  }
0x28: {  	s2 =	sld [smem:$0x3FAA]  }
0x29: {  	s4 =	sld [smem:$0x3FAC]  }
0x2a: {  	p0 =	seq.s32 s5, $0x0;
	s5 =	sld [smem:$0x3FAD]  }
0x2b: {  	s6 =	sld [smem:$0x3FAE]  }
0x2c: {  	s7 =	sld [smem:$0x3FAF]  }
0x2d: {  	s3 =	simm.s32 $0x108;
	s8 =	sld [smem:$0x3FB0]  }
0x2e: {  	s3 =	simm.s32 @!p0 $0x1082;
	s9 =	sld [smem:$0x3FB1]  }
0x2f: {  	lr =	sadd.s32 s0, s3;
	s0 =	sld [smem:$0x3FA8]  }
0x30: {  	s3 =	sld [smem:$0x3FAB]  }
0x31: {  	[smem:$0x3FB4] =	sst s10  }
0x32: {  	s10 =	sld [smem:$0x3FB2];
	_ =	sdelay $0x3  }
0x33: {  	p0 =	seq.s32 s10, $0x1;
	s10 =	sld [smem:$0x3FB4];
	_ =	sdelay $0x3  }
0x34: {  	[smem:$0x3FB4] =	sst s10  }
0x35: {  	s10 =	sld [smem:$0x3FB3];
	_ =	sdelay $0x3  }
0x36: {  	p1 =	seq.s32 s10, $0x1;
	s10 =	sld [smem:$0x3FB4];
	_ =	sdelay $0x3  }
0x37: {  	[smem:$0x3FB4] =	sst s10  }
0x38: {  	s10 =	sld [smem:$0x3FB5]  }
0x39: {  	_ = 	snop;
	(pc) =	sbr.ind lr, $3  }
0x3a: {  	_ = 	snop  }
0x3b: {  	_ = 	snop  }
0x3c: {  	p2 =	seq.s32 s10, $0x1;
	s10 =	sld [smem:$0x3FB4]  }
0x3d: {  	_ =	shalt  }
0x3e: {  	_ =	shalt  }
0x3f: {  	_ =	shalt  }
0x40: {  	_ =	shalt  }
0x41: {  	_ =	shalt  }
0x42: {  	_ =	shalt  }
0x43: {  	_ =	shalt  }
0x44: {  	_ =	shalt  }
0x45: {  	_ =	shalt  }
0x46: {  	_ =	shalt  }
0x47: {  	_ =	shalt  }
0x48: {  	_ =	shalt  }
0x49: {  	_ =	shalt  }
0x4a: {  	_ =	shalt  }
0x4b: {  	_ =	shalt  }
0x4c: {  	_ =	shalt  }
0x4d: {  	_ =	shalt  }
0x4e: {  	_ =	shalt  }
0x4f: {  	_ =	shalt  }
0x50: {  	_ =	shalt  }
0x51: {  	_ =	shalt  }
0x52: {  	_ =	shalt  }
0x53: {  	_ =	shalt  }
0x54: {  	_ =	shalt  }
0x55: {  	_ =	shalt  }
0x56: {  	_ =	shalt  }
0x57: {  	_ =	shalt  }
0x58: {  	_ =	shalt  }
0x59: {  	_ =	shalt  }
0x5a: {  	_ =	shalt  }
0x5b: {  	_ =	shalt  }
0x5c: {  	_ =	shalt  }
0x5d: {  	_ =	shalt  }
0x5e: {  	_ =	shalt  }
0x5f: {  	_ =	shalt  }
0x60: {  	_ =	shalt  }
0x61: {  	_ =	shalt  }
0x62: {  	_ =	shalt  }
0x63: {  	_ =	shalt  }
0x64: {  	_ =	shalt  }
0x65: {  	_ =	shalt  }
0x66: {  	_ =	shalt  }
0x67: {  	_ =	shalt  }
0x68: {  	_ =	shalt  }
0x69: {  	_ =	shalt  }
0x6a: {  	_ =	shalt  }
0x6b: {  	_ =	shalt  }
0x6c: {  	_ =	shalt  }
0x6d: {  	_ =	shalt  }
0x6e: {  	_ =	shalt  }
0x6f: {  	_ =	shalt  }
0x70: {  	_ =	shalt  }
0x71: {  	_ =	shalt  }
0x72: {  	_ =	shalt  }
0x73: {  	_ =	shalt  }
0x74: {  	_ =	shalt  }
0x75: {  	_ =	shalt  }
0x76: {  	_ =	shalt  }
0x77: {  	_ =	shalt  }
0x78: {  	_ =	shalt  }
0x79: {  	_ =	shalt  }
0x7a: {  	_ =	shalt  }
0x7b: {  	_ =	shalt  }
0x7c: {  	_ =	shalt  }
0x7d: {  	_ =	shalt  }
0x7e: {  	_ =	shalt  }
0x7f: {  	_ =	shalt  }
0x80: {  	_ =	shalt  }
0x81: {  	_ =	shalt  }
0x82: {  	_ =	shalt  }
0x83: {  	_ =	shalt  }
0x84: {  	_ =	shalt  }
0x85: {  	_ =	shalt  }
0x86: {  	_ =	shalt  }
0x87: {  	_ =	shalt  }
.Lfunc_end0:
.L_simem_size_0:
called_computation_lowered:
.L_overlay_start_0:
0x88: {  	s2 =	sld [smem:$0x3FD9]  }
0x89: {  	s3 =	sld [smem:$0x3FFE];
	_ =	sdelay $0x1  }
0x8a: {  	s1 =	srdreg.scid  }
0x8b: {  	s0 =	sand.u32 $0x1, s1  }
0x8c: {  	s17 =	sshll.u32 s0, $0xA;
	s2 =	sadd.s32 s3, s2  }
0x8d: {  	s2 =	sadd.s32 s2, s17  }
0x8e: {  	[smem:$0x3FC0] =	sst s2  }
0x8f: {  	_ = 	snop  }
0x90: {  	s2 =	sld [smem:$0x3FD0];
	(tm) =	ssettm $0x1  }
0x91: {  	s18 =	sld [smem:$0x3FFB];
	_ =	sdelay $0x3  }
0x92: {  	_ =	strace s18  }
0x93: {  	s3 =	sld [smem:$0x3FFC];
	_ =	sdelay $0x3  }
0x94: {  	_ =	strace s3  }
0x95: {  	s3 =	sld [smem:$0x3FFD];
	_ =	sdelay $0x3  }
0x96: {  	_ =	strace s3  }
0x97: {  	_ =	strace $0x8FFFFFFF  }
0x98: {  	s19 =	sld [smem:$0x3FDB];
	_ =	sdelay $0x1  }
0x99: {  	s4 =	simm.s32 $_scs_section_size  }
0x9a: {  	s5 =	simm.s32 $_size__tile_overlayer_lowered;
	s6 =	simm.s32 $_tile_overlayer_lowered  }
0x9b: {  	s22 =	simm.s32 $0x1BFF;
	s21 =	sshll.u32 s6, $0x1;
	s3 =	sadd.s32 s4, s19  }
0x9c: {  	s7 =	simm.s32 $0x0;
	s20 =	sshll.u32 s5, $0x1;
	s5 =	sadd.s32 s21, s3  }
0x9d: {  	[timem:s7], [sflag:s22] =	dma.local [hbm:s5], s20  }
0x9e: {  	_ =	swait.ge [sflag:s22], s20  }
0x9f: {  	s4 =	ssub.s32 $0x0, s20;
	[sflag:s22] =	ssyncset.done $0x0  }
0xa0: {  	[sflag:s22] =	ssyncadd.s32 s4;
	_ =	sdelay $0x1  }
0xa1: {  	s23 =	simm.s32 $0x1B8B  }
0xa2: {  	_ =	swait.ge [sflag:s23], $0x1  }
0xa3: {  	[sflag:s23] =	ssyncset.done $0x0  }
0xa4: {  	s25 =	simm.s32 $0x1B8E;
	s24 =	sld [smem:$0x3FFE];
	[sflag:s23] =	ssyncadd.s32 $0xFFFFFFFF  }
0xa5: {  	s26 =	simm.s32 $execute0_lowered;
	[smem:$0x3FD2] =	sst s25  }
0xa6: {  	s5 =	sshll.u32 s26, $0x1;
	_ =	strace $0x80000046;
	[dreg:$0x1] =	wrdreg $0xFFFFFFFF  }
0xa7: {  	s28 =	simm.s32 $_size_execute0_lowered;
	s3 =	sadd.s32 s3, s5;
	[dreg:$0x0] =	wrdreg $0x0  }
0xa8: {  	s5 =	sshll.u32 s28, $0x1;
	[dreg:$0x2] =	wrdreg s3  }
0xa9: {  	[dreg:$0x3] =	wrdreg s5  }
0xaa: {  	[dreg:$0x4] =	wrdreg $0xC0  }
0xab: {  	_ =	task [dreg:s7], $0x5FFFF  }
0xac: {  	[dreg:$0x1] =	wrdreg $0xFFFFFFFF  }
0xad: {  	[dreg:$0x0] =	wrdreg $0x60  }
0xae: {  	[dreg:$0x2] =	wrdreg s24  }
0xaf: {  	[dreg:$0x3] =	wrdreg s2  }
0xb0: {  	[dreg:$0x4] =	wrdreg $0x9  }
0xb1: {  	_ =	task.clear_ibuf [dreg:s7], $0x5FFFF;
	_ =	strace $0x90000046  }
0xb2: {  	s29 =	simm.s32 $0x9;
	_ =	strace $0x80000048  }
0xb3: {  	_ =	swait.ge [sflag:s29], $0x1  }
0xb4: {  	[sflag:s29] =	ssyncadd.s32 $0xFFFFFFFF  }
0xb5: {  	_ =	strace $0x90000048  }
0xb6: {  	_ =	sfence  }
0xb7: {  	s30 =	sld [smem:$0x0];
	_ =	sdelay $0x2  }
0xb8: {  	s31 =	sshll.u32 s1, $0xD;
	s1 =	sshrl.u32 s1, $0x2  }
0xb9: {  	s3 =	sand.u32 $0x4000, s31;
	s1 =	sadd.s32 s1, s30  }
0xba: {  	s0 =	sor.u32 s3, s0;
	s1 =	sshll.u32 s1, $0x11  }
0xbb: {  	s0 =	sor.u32 s1, s0  }
0xbc: {  	s0 =	sadd.s32 $0x8F2B, s0  }
0xbd: {  	[sflag:s0] =	ssyncadd.remote.s32 $0x1  }
0xbe: {  	_ =	sfence.sel $0xFFFF  }
0xbf: {  	[dreg:$0x0] =	wrdreg $0xFFFFFFFF;
	(pc) =	sbr.abs _section_cstart, $3  }
0xc0: {  	[dreg:$0x1] =	wrdreg $0xFFFFFFFF  }
0xc1: {  	_ =	task.clear_ibuf [dreg:s7], $0x2FFFF;
	_ =	strace $0x9FFFFFFF  }
0xc2: {  	(tm) =	ssettm $0x7FFFFFFF  }
0xc3: {  	_ =	shalt  }
tec
execute0_lowered:
.L_overlay_start_1:
0x0: {  	(tag) =	ssettag $0x1  }
0x1: {  	s4 =	rddreg [dreg:$0x0]  }
0x2: {  	s1 =	rddreg [dreg:$0x1]  }
0x3: {  	s0 =	rddreg [dreg:$0x2];
	s2 =	simm.s32 $0x0  }
0x4: {  	s5 =	srdreg.scid;
	s19 =	simm.s32 $0x28;
	s11 =	simm.s32 $0x10000  }
0x5: {  	s12 =	simm.s32 $0x12000;
	s13 =	simm.s32 $0x14000;
	s14 =	simm.s32 $0x1  }
0x6: {  	s15 =	simm.s32 $0x11000;
	s16 =	simm.s32 $0x13000;
	s17 =	simm.s32 $0x15000  }
0x7: {  	s18 =	simm.s32 $0x2;
	s20 =	simm.s32 $0x0;
	[smem:$0x7FF] =	sst s2  }
0x8: {  	s3 =	sadd.s32 $0x1200, s4;
	s9 =	sand.u32 $0x1, s5;
	s5 =	sadd.s32 $0x10C00, s4  }
.Ltmp0:
0x9: {  	s6 =	sadd.s32 $0x20600, s4;
	s7 =	sadd.s32 $0x22600, s4;
	(pc) =	sbr.rel .LBB2_1-.Ltmp0, $4  }
0xa: {  	s4 =	stileid.u32;
	_ =	strace $0x80000047;
	s8 =	ssub.s32 $0x2, s9  }
0xb: {  	p0 =	seq.s32 s4, $0xF;
	s9 =	sshll.u32 s9, $0x3;
	s10 =	sshrl.u32 s8, $0x1  }
0xc: {  	s19 =	simm.s32 @!p0 $0x40;
	s10 =	ssub.s32 s8, s10;
	s8 =	sshll.u32 s4, $0x6  }
0xd: {  	p1 =	sne.s32 s4, $0xF;
	v1 =	vmov s19;
	s19 =	simm.s32 $0x3;
	s10 =	smax.u32 s10, $0x1;
	v0 =	vmov s8  }
.LBB2_22:
0xe: {  	_ =	swait.ge [sflag:s19], $0x10000  }
0xf: {  	[sflag:s19] =	ssyncset.done $0x0  }
0x10: {  	[sflag:s19] =	ssyncadd.s32 $0xFFFF0000  }
.LBB2_23:
0x11: {  	s20 =	sadd.s32 $0x1, s20  }
0x12: {  	p2 =	sne.s32 s20, s10  }
.Ltmp1:
0x13: {  	_ = 	snop;
	(pc) =	sbr.rel @!p2 .LBB2_24-.Ltmp1, $1  }
0x14: {  	_ =	sdelay $0x3  }
.LBB2_1:
.Ltmp2:
0x15: {  	(pc) =	sbr.rel .LBB2_2-.Ltmp2, $2  }
0x16: {  	_ =	sdelay $0x2  }
0x17: {  	s21 =	simm.s32 $0x0  }
.LBB2_21:
0x18: {  	p2 =	sne.s32 s21, $0x8  }
.Ltmp3:
0x19: {  	_ = 	snop;
	(pc) =	sbr.rel @!p2 .LBB2_22-.Ltmp3, $2  }
0x1a: {  	_ =	sdelay $0x2  }
0x1b: {  	[hbm4b:s22+s2] =	stream.linear.scatter [tilespmem:s2], [sflag:$0x3], $0x10000, $0x38;
	[tilespmem:$0x16000] =	vst v63  }
.LBB2_2:
0x1c: {  	s22 =	sadd.s32 s9, s21  }
0x1d: {  	s23 =	smul.u32 $0x7D00, s22;
	_ =	sdelay $0x1  }
0x1e: {  	s23 =	sshrl.u32 s23, $0x3  }
0x1f: {  	p2 =	seq.s32 @p0 s21, $0x0;
	s24 =	sadd.s32 s3, s23  }
0x20: {  	[tilespmem:s11], [sflag:$0x1] =	stream.linear.gather [hbm4b:s24+s2], $0xFA0, $0x38;
	[tilespmem:$0x16000] =	vst v63  }
0x21: {  	p2 =	por p2, !p0;
	s29 =	sadd.s32 s1, s23  }
0x22: {  	[tilespmem:s12], [sflag:$0x1] =	stream.linear.gather [hbm4b:s29+s2], $0xFA0, $0x38;
	[tilespmem:$0x16000] =	vst v63  }
0x23: {  	s30 =	sadd.s32 s5, s23;
	s24 =	simm.s32 @!p2 $0x3  }
0x24: {  	[tilespmem:s13], [sflag:$0x1] =	stream.linear.gather [hbm4b:s30+s2], $0xFA0, $0x38;
	[tilespmem:$0x16000] =	vst v63  }
0x25: {  	_ =	swait.ge @!p2 [sflag:s24], $0xA000  }
0x26: {  	[sflag:s24] =	ssyncset.done @!p2 $0x0  }
0x27: {  	[sflag:s24] =	ssyncadd.s32 @!p2 $0xFFFF6000;
	s24 =	simm.s32 @p0 $0x0  }
0x28: {  	[tilespmem:s24], [sflag:$0x4] =	stream.linear.gather @p0 [hbm4b:s6+s24], $0xA000, $0x38;
	[tilespmem:$0x16000] =	vst v63  }
0x29: {  	s24 =	simm.s32 @p0 $0x4  }
0x2a: {  	p2 =	seq.s32 @!p0 s21, $0x0;
	_ =	swait.ge @p0 [sflag:s24], $0xA000  }
0x2b: {  	p2 =	por p2, p0;
	[sflag:s24] =	ssyncset.done @p0 $0x0  }
0x2c: {  	[sflag:s24] =	ssyncadd.s32 @p0 $0xFFFF6000;
	s24 =	simm.s32 @!p2 $0x3  }
0x2d: {  	_ =	swait.ge @!p2 [sflag:s24], $0x10000  }
0x2e: {  	[sflag:s24] =	ssyncset.done @!p2 $0x0  }
0x2f: {  	[sflag:s24] =	ssyncadd.s32 @!p2 $0xFFFF0000;
	s24 =	simm.s32 @!p0 $0x0  }
0x30: {  	[tilespmem:s24], [sflag:$0x4] =	stream.linear.gather @!p0 [hbm4b:s6+s24], $0x10000, $0x38;
	[tilespmem:$0x16000] =	vst v63  }
0x31: {  	s24 =	simm.s32 @!p0 $0x4  }
0x32: {  	_ =	swait.ge @!p0 [sflag:s24], $0x10000  }
0x33: {  	[sflag:s24] =	ssyncset.done @!p0 $0x0  }
0x34: {  	[sflag:s24] =	ssyncadd.s32 @!p0 $0xFFFF0000  }
0x35: {  	_ =	swait.ge [sflag:s14], $0xFA0  }
0x36: {  	[sflag:s14] =	ssyncset.done $0x0  }
0x37: {  	[sflag:s14] =	ssyncadd.s32 $0xFFFFF060  }
0x38: {  	_ =	swait.ge [sflag:s14], $0xFA0  }
0x39: {  	[sflag:s14] =	ssyncset.done $0x0  }
0x3a: {  	[sflag:s14] =	ssyncadd.s32 $0xFFFFF060  }
0x3b: {  	_ =	swait.ge [sflag:s14], $0xFA0  }
0x3c: {  	s25 =	sadd.s32 $0x1F4, s23;
	[sflag:s14] =	ssyncset.done $0x0  }
0x3d: {  	s26 =	sadd.s32 s3, s25;
	s24 =	simm.s32 $0x0;
	[sflag:s14] =	ssyncadd.s32 $0xFFFFF060  }
0x3e: {  	[tilespmem:s15], [sflag:$0x2] =	stream.linear.gather [hbm4b:s26+s24], $0xFA0, $0x38;
	[tilespmem:$0x16000] =	vst v63  }
0x3f: {  	s22 =	smul.u32 $0x3E8, s22;
	s31 =	sadd.s32 s1, s25  }
0x40: {  	[tilespmem:s16], [sflag:$0x2] =	stream.linear.gather [hbm4b:s31+s24], $0xFA0, $0x38;
	[tilespmem:$0x16000] =	vst v63  }
0x41: {  	s22 =	sadd.s32 s8, s22;
	s25 =	sadd.s32 s5, s25  }
0x42: {  	[tilespmem:s17], [sflag:$0x2] =	stream.linear.gather [hbm4b:s25+s24], $0xFA0, $0x38;
	[tilespmem:$0x16000] =	vst v63  }
.LBB2_3:
0x43: {  	s25 =	sshra.s32 s24, $0x2  }
0x44: {  	v2 =	vld [tilespmem:s25+$0x10000]  }
0x45: {  	v3 =	vld [tilespmem:s25+$0x12000];
	_ =	sdelay $0x3  }
0x46: {  	v4 =	vsub.s32 v2, v0  }
0x47: {  	v6 =	vshll.u32 v3, $0x3;
	v5 =	vshll.u32 v4, $0xA  }
0x48: {  	v2 =	vshll.u32 v2, $0x7;
	v6 =	vand.u32 $0xFFFFFC00, v6;
	v5 =	vand.u32 $0xFFFFE000, v5  }
0x49: {  	v2 =	vand.u32 $0x380, v2;
	v5 =	vadd.s32 v6, v5  }
0x4a: {  	v3 =	vand.u32 $0x7F, v3;
	vm0 =	vlt.u32 v4, v1;
	v2 =	vor.u32 v2, v5  }
0x4b: {  	v59 =	vld [tilespmem:s25+$0x14000];
	v2 =	vor.u32 v3, v2;
	_ =	sdelay $0x4  }
0x4c: {  	[tilespmem:v2+s2+$0x0] =	vst.idx.msk vm0, v59  }
0x4d: {  	v2 =	vld [tilespmem:s25+$0x10010]  }
0x4e: {  	v3 =	vld [tilespmem:s25+$0x12010];
	_ =	sdelay $0x3  }
0x4f: {  	v60 =	vsub.s32 v2, v0  }
0x50: {  	v62 =	vshll.u32 v3, $0x3;
	v61 =	vshll.u32 v60, $0xA  }
0x51: {  	v2 =	vshll.u32 v2, $0x7;
	v6 =	vand.u32 $0xFFFFFC00, v62;
	v5 =	vand.u32 $0xFFFFE000, v61  }
0x52: {  	v2 =	vand.u32 $0x380, v2;
	v5 =	vadd.s32 v6, v5  }
0x53: {  	v3 =	vand.u32 $0x7F, v3;
	vm15 =	vlt.u32 v60, v1;
	v2 =	vor.u32 v2, v5  }
0x54: {  	p2 =	sne.s32 s24, $0x3E00;
	v63 =	vld [tilespmem:s25+$0x14010];
	v2 =	vor.u32 v3, v2  }
.Ltmp4:
0x55: {  	_ = 	snop;
	(pc) =	sbr.rel @p2 .LBB2_3-.Ltmp4, $2  }
0x56: {  	_ =	sdelay $0x2  }
0x57: {  	s24 =	sadd.s32 $0x80, s24;
	[tilespmem:v2+s2+$0x0] =	vst.idx.msk vm15, v63  }
0x58: {  	_ =	swait.ge [sflag:s18], $0xFA0  }
0x59: {  	[sflag:s18] =	ssyncset.done $0x0  }
0x5a: {  	[sflag:s18] =	ssyncadd.s32 $0xFFFFF060  }
0x5b: {  	_ =	swait.ge [sflag:s18], $0xFA0  }
0x5c: {  	[sflag:s18] =	ssyncset.done $0x0  }
0x5d: {  	[sflag:s18] =	ssyncadd.s32 $0xFFFFF060  }
0x5e: {  	_ =	swait.ge [sflag:s18], $0xFA0  }
0x5f: {  	s25 =	sadd.s32 $0x3E8, s23;
	[sflag:s18] =	ssyncset.done $0x0  }
0x60: {  	s24 =	simm.s32 $0x0;
	s26 =	sadd.s32 s3, s25;
	[sflag:s18] =	ssyncadd.s32 $0xFFFFF060  }
0x61: {  	[tilespmem:s11], [sflag:$0x1] =	stream.linear.gather [hbm4b:s26+s24], $0xFA0, $0x38;
	[tilespmem:$0x16000] =	vst v63  }
0x62: {  	s31 =	sadd.s32 s1, s25  }
0x63: {  	[tilespmem:s12], [sflag:$0x1] =	stream.linear.gather [hbm4b:s31+s24], $0xFA0, $0x38;
	[tilespmem:$0x16000] =	vst v63  }
0x64: {  	s25 =	sadd.s32 s5, s25  }
0x65: {  	[tilespmem:s13], [sflag:$0x1] =	stream.linear.gather [hbm4b:s25+s24], $0xFA0, $0x38;
	[tilespmem:$0x16000] =	vst v63  }
.LBB2_5:
0x66: {  	s25 =	sshra.s32 s24, $0x2  }
0x67: {  	v2 =	vld [tilespmem:s25+$0x11000]  }
0x68: {  	v3 =	vld [tilespmem:s25+$0x13000];
	_ =	sdelay $0x3  }
0x69: {  	v4 =	vsub.s32 v2, v0  }
0x6a: {  	v6 =	vshll.u32 v3, $0x3;
	v5 =	vshll.u32 v4, $0xA  }
0x6b: {  	v2 =	vshll.u32 v2, $0x7;
	v6 =	vand.u32 $0xFFFFFC00, v6;
	v5 =	vand.u32 $0xFFFFE000, v5  }
0x6c: {  	v2 =	vand.u32 $0x380, v2;
	v5 =	vadd.s32 v6, v5  }
0x6d: {  	v3 =	vand.u32 $0x7F, v3;
	vm0 =	vlt.u32 v4, v1;
	v2 =	vor.u32 v2, v5  }
0x6e: {  	v59 =	vld [tilespmem:s25+$0x15000];
	v2 =	vor.u32 v3, v2;
	_ =	sdelay $0x4  }
0x6f: {  	[tilespmem:v2+s2+$0x0] =	vst.idx.msk vm0, v59  }
0x70: {  	v2 =	vld [tilespmem:s25+$0x11010]  }
0x71: {  	v3 =	vld [tilespmem:s25+$0x13010];
	_ =	sdelay $0x3  }
0x72: {  	v60 =	vsub.s32 v2, v0  }
0x73: {  	v62 =	vshll.u32 v3, $0x3;
	v61 =	vshll.u32 v60, $0xA  }
0x74: {  	v2 =	vshll.u32 v2, $0x7;
	v6 =	vand.u32 $0xFFFFFC00, v62;
	v5 =	vand.u32 $0xFFFFE000, v61  }
0x75: {  	v2 =	vand.u32 $0x380, v2;
	v5 =	vadd.s32 v6, v5  }
0x76: {  	v3 =	vand.u32 $0x7F, v3;
	vm15 =	vlt.u32 v60, v1;
	v2 =	vor.u32 v2, v5  }
0x77: {  	p2 =	sne.s32 s24, $0x3E00;
	v63 =	vld [tilespmem:s25+$0x15010];
	v2 =	vor.u32 v3, v2  }
.Ltmp5:
0x78: {  	_ = 	snop;
	(pc) =	sbr.rel @p2 .LBB2_5-.Ltmp5, $2  }
0x79: {  	_ =	sdelay $0x2  }
0x7a: {  	s24 =	sadd.s32 $0x80, s24;
	[tilespmem:v2+s2+$0x0] =	vst.idx.msk vm15, v63  }
0x7b: {  	_ =	swait.ge [sflag:s14], $0xFA0  }
0x7c: {  	[sflag:s14] =	ssyncset.done $0x0  }
0x7d: {  	[sflag:s14] =	ssyncadd.s32 $0xFFFFF060  }
0x7e: {  	_ =	swait.ge [sflag:s14], $0xFA0  }
0x7f: {  	[sflag:s14] =	ssyncset.done $0x0  }
0x80: {  	[sflag:s14] =	ssyncadd.s32 $0xFFFFF060  }
0x81: {  	_ =	swait.ge [sflag:s14], $0xFA0  }
0x82: {  	s25 =	sadd.s32 $0x5DC, s23;
	[sflag:s14] =	ssyncset.done $0x0  }
0x83: {  	s24 =	simm.s32 $0x0;
	s26 =	sadd.s32 s3, s25;
	[sflag:s14] =	ssyncadd.s32 $0xFFFFF060  }
0x84: {  	[tilespmem:s15], [sflag:$0x2] =	stream.linear.gather [hbm4b:s26+s24], $0xFA0, $0x38;
	[tilespmem:$0x16000] =	vst v63  }
0x85: {  	s31 =	sadd.s32 s1, s25  }
0x86: {  	[tilespmem:s16], [sflag:$0x2] =	stream.linear.gather [hbm4b:s31+s24], $0xFA0, $0x38;
	[tilespmem:$0x16000] =	vst v63  }
0x87: {  	s25 =	sadd.s32 s5, s25  }
0x88: {  	[tilespmem:s17], [sflag:$0x2] =	stream.linear.gather [hbm4b:s25+s24], $0xFA0, $0x38;
	[tilespmem:$0x16000] =	vst v63  }
.LBB2_7:
0x89: {  	s25 =	sshra.s32 s24, $0x2  }
0x8a: {  	v2 =	vld [tilespmem:s25+$0x10000]  }
0x8b: {  	v3 =	vld [tilespmem:s25+$0x12000];
	_ =	sdelay $0x3  }
0x8c: {  	v4 =	vsub.s32 v2, v0  }
0x8d: {  	v6 =	vshll.u32 v3, $0x3;
	v5 =	vshll.u32 v4, $0xA  }
0x8e: {  	v2 =	vshll.u32 v2, $0x7;
	v6 =	vand.u32 $0xFFFFFC00, v6;
	v5 =	vand.u32 $0xFFFFE000, v5  }
0x8f: {  	v2 =	vand.u32 $0x380, v2;
	v5 =	vadd.s32 v6, v5  }
0x90: {  	v3 =	vand.u32 $0x7F, v3;
	vm0 =	vlt.u32 v4, v1;
	v2 =	vor.u32 v2, v5  }
0x91: {  	v59 =	vld [tilespmem:s25+$0x14000];
	v2 =	vor.u32 v3, v2;
	_ =	sdelay $0x4  }
0x92: {  	[tilespmem:v2+s2+$0x0] =	vst.idx.msk vm0, v59  }
0x93: {  	v2 =	vld [tilespmem:s25+$0x10010]  }
0x94: {  	v3 =	vld [tilespmem:s25+$0x12010];
	_ =	sdelay $0x3  }
0x95: {  	v60 =	vsub.s32 v2, v0  }
0x96: {  	v62 =	vshll.u32 v3, $0x3;
	v61 =	vshll.u32 v60, $0xA  }
0x97: {  	v2 =	vshll.u32 v2, $0x7;
	v6 =	vand.u32 $0xFFFFFC00, v62;
	v5 =	vand.u32 $0xFFFFE000, v61  }
0x98: {  	v2 =	vand.u32 $0x380, v2;
	v5 =	vadd.s32 v6, v5  }
0x99: {  	v3 =	vand.u32 $0x7F, v3;
	vm15 =	vlt.u32 v60, v1;
	v2 =	vor.u32 v2, v5  }
0x9a: {  	p2 =	sne.s32 s24, $0x3E00;
	v63 =	vld [tilespmem:s25+$0x14010];
	v2 =	vor.u32 v3, v2  }
.Ltmp6:
0x9b: {  	_ = 	snop;
	(pc) =	sbr.rel @p2 .LBB2_7-.Ltmp6, $2  }
0x9c: {  	_ =	sdelay $0x2  }
0x9d: {  	s24 =	sadd.s32 $0x80, s24;
	[tilespmem:v2+s2+$0x0] =	vst.idx.msk vm15, v63  }
0x9e: {  	_ =	swait.ge [sflag:s18], $0xFA0  }
0x9f: {  	[sflag:s18] =	ssyncset.done $0x0  }
0xa0: {  	[sflag:s18] =	ssyncadd.s32 $0xFFFFF060  }
0xa1: {  	_ =	swait.ge [sflag:s18], $0xFA0  }
0xa2: {  	[sflag:s18] =	ssyncset.done $0x0  }
0xa3: {  	[sflag:s18] =	ssyncadd.s32 $0xFFFFF060  }
0xa4: {  	_ =	swait.ge [sflag:s18], $0xFA0  }
0xa5: {  	s25 =	sadd.s32 $0x7D0, s23;
	[sflag:s18] =	ssyncset.done $0x0  }
0xa6: {  	s24 =	simm.s32 $0x0;
	s26 =	sadd.s32 s3, s25;
	[sflag:s18] =	ssyncadd.s32 $0xFFFFF060  }
0xa7: {  	[tilespmem:s11], [sflag:$0x1] =	stream.linear.gather [hbm4b:s26+s24], $0xFA0, $0x38;
	[tilespmem:$0x16000] =	vst v63  }
0xa8: {  	s31 =	sadd.s32 s1, s25  }
0xa9: {  	[tilespmem:s12], [sflag:$0x1] =	stream.linear.gather [hbm4b:s31+s24], $0xFA0, $0x38;
	[tilespmem:$0x16000] =	vst v63  }
0xaa: {  	s25 =	sadd.s32 s5, s25  }
0xab: {  	[tilespmem:s13], [sflag:$0x1] =	stream.linear.gather [hbm4b:s25+s24], $0xFA0, $0x38;
	[tilespmem:$0x16000] =	vst v63  }
.LBB2_9:
0xac: {  	s25 =	sshra.s32 s24, $0x2  }
0xad: {  	v2 =	vld [tilespmem:s25+$0x11000]  }
0xae: {  	v3 =	vld [tilespmem:s25+$0x13000];
	_ =	sdelay $0x3  }
0xaf: {  	v4 =	vsub.s32 v2, v0  }
0xb0: {  	v6 =	vshll.u32 v3, $0x3;
	v5 =	vshll.u32 v4, $0xA  }
0xb1: {  	v2 =	vshll.u32 v2, $0x7;
	v6 =	vand.u32 $0xFFFFFC00, v6;
	v5 =	vand.u32 $0xFFFFE000, v5  }
0xb2: {  	v2 =	vand.u32 $0x380, v2;
	v5 =	vadd.s32 v6, v5  }
0xb3: {  	v3 =	vand.u32 $0x7F, v3;
	vm0 =	vlt.u32 v4, v1;
	v2 =	vor.u32 v2, v5  }
0xb4: {  	v59 =	vld [tilespmem:s25+$0x15000];
	v2 =	vor.u32 v3, v2;
	_ =	sdelay $0x4  }
0xb5: {  	[tilespmem:v2+s2+$0x0] =	vst.idx.msk vm0, v59  }
0xb6: {  	v2 =	vld [tilespmem:s25+$0x11010]  }
0xb7: {  	v3 =	vld [tilespmem:s25+$0x13010];
	_ =	sdelay $0x3  }
0xb8: {  	v60 =	vsub.s32 v2, v0  }
0xb9: {  	v62 =	vshll.u32 v3, $0x3;
	v61 =	vshll.u32 v60, $0xA  }
0xba: {  	v2 =	vshll.u32 v2, $0x7;
	v6 =	vand.u32 $0xFFFFFC00, v62;
	v5 =	vand.u32 $0xFFFFE000, v61  }
0xbb: {  	v2 =	vand.u32 $0x380, v2;
	v5 =	vadd.s32 v6, v5  }
0xbc: {  	v3 =	vand.u32 $0x7F, v3;
	vm15 =	vlt.u32 v60, v1;
	v2 =	vor.u32 v2, v5  }
0xbd: {  	p2 =	sne.s32 s24, $0x3E00;
	v63 =	vld [tilespmem:s25+$0x15010];
	v2 =	vor.u32 v3, v2  }
.Ltmp7:
0xbe: {  	_ = 	snop;
	(pc) =	sbr.rel @p2 .LBB2_9-.Ltmp7, $2  }
0xbf: {  	_ =	sdelay $0x2  }
0xc0: {  	s24 =	sadd.s32 $0x80, s24;
	[tilespmem:v2+s2+$0x0] =	vst.idx.msk vm15, v63  }
0xc1: {  	_ =	swait.ge [sflag:s14], $0xFA0  }
0xc2: {  	[sflag:s14] =	ssyncset.done $0x0  }
0xc3: {  	[sflag:s14] =	ssyncadd.s32 $0xFFFFF060  }
0xc4: {  	_ =	swait.ge [sflag:s14], $0xFA0  }
0xc5: {  	[sflag:s14] =	ssyncset.done $0x0  }
0xc6: {  	[sflag:s14] =	ssyncadd.s32 $0xFFFFF060  }
0xc7: {  	_ =	swait.ge [sflag:s14], $0xFA0  }
0xc8: {  	s25 =	sadd.s32 $0x9C4, s23;
	[sflag:s14] =	ssyncset.done $0x0  }
0xc9: {  	s24 =	simm.s32 $0x0;
	s26 =	sadd.s32 s3, s25;
	[sflag:s14] =	ssyncadd.s32 $0xFFFFF060  }
0xca: {  	[tilespmem:s15], [sflag:$0x2] =	stream.linear.gather [hbm4b:s26+s24], $0xFA0, $0x38;
	[tilespmem:$0x16000] =	vst v63  }
0xcb: {  	s31 =	sadd.s32 s1, s25  }
0xcc: {  	[tilespmem:s16], [sflag:$0x2] =	stream.linear.gather [hbm4b:s31+s24], $0xFA0, $0x38;
	[tilespmem:$0x16000] =	vst v63  }
0xcd: {  	s25 =	sadd.s32 s5, s25  }
0xce: {  	[tilespmem:s17], [sflag:$0x2] =	stream.linear.gather [hbm4b:s25+s24], $0xFA0, $0x38;
	[tilespmem:$0x16000] =	vst v63  }
.LBB2_11:
0xcf: {  	s25 =	sshra.s32 s24, $0x2  }
0xd0: {  	v2 =	vld [tilespmem:s25+$0x10000]  }
0xd1: {  	v3 =	vld [tilespmem:s25+$0x12000];
	_ =	sdelay $0x3  }
0xd2: {  	v4 =	vsub.s32 v2, v0  }
0xd3: {  	v6 =	vshll.u32 v3, $0x3;
	v5 =	vshll.u32 v4, $0xA  }
0xd4: {  	v2 =	vshll.u32 v2, $0x7;
	v6 =	vand.u32 $0xFFFFFC00, v6;
	v5 =	vand.u32 $0xFFFFE000, v5  }
0xd5: {  	v2 =	vand.u32 $0x380, v2;
	v5 =	vadd.s32 v6, v5  }
0xd6: {  	v3 =	vand.u32 $0x7F, v3;
	vm0 =	vlt.u32 v4, v1;
	v2 =	vor.u32 v2, v5  }
0xd7: {  	v59 =	vld [tilespmem:s25+$0x14000];
	v2 =	vor.u32 v3, v2;
	_ =	sdelay $0x4  }
0xd8: {  	[tilespmem:v2+s2+$0x0] =	vst.idx.msk vm0, v59  }
0xd9: {  	v2 =	vld [tilespmem:s25+$0x10010]  }
0xda: {  	v3 =	vld [tilespmem:s25+$0x12010];
	_ =	sdelay $0x3  }
0xdb: {  	v60 =	vsub.s32 v2, v0  }
0xdc: {  	v62 =	vshll.u32 v3, $0x3;
	v61 =	vshll.u32 v60, $0xA  }
0xdd: {  	v2 =	vshll.u32 v2, $0x7;
	v6 =	vand.u32 $0xFFFFFC00, v62;
	v5 =	vand.u32 $0xFFFFE000, v61  }
0xde: {  	v2 =	vand.u32 $0x380, v2;
	v5 =	vadd.s32 v6, v5  }
0xdf: {  	v3 =	vand.u32 $0x7F, v3;
	vm15 =	vlt.u32 v60, v1;
	v2 =	vor.u32 v2, v5  }
0xe0: {  	p2 =	sne.s32 s24, $0x3E00;
	v63 =	vld [tilespmem:s25+$0x14010];
	v2 =	vor.u32 v3, v2  }
.Ltmp8:
0xe1: {  	_ = 	snop;
	(pc) =	sbr.rel @p2 .LBB2_11-.Ltmp8, $2  }
0xe2: {  	_ =	sdelay $0x2  }
0xe3: {  	s24 =	sadd.s32 $0x80, s24;
	[tilespmem:v2+s2+$0x0] =	vst.idx.msk vm15, v63  }
0xe4: {  	_ =	swait.ge [sflag:s18], $0xFA0  }
0xe5: {  	[sflag:s18] =	ssyncset.done $0x0  }
0xe6: {  	[sflag:s18] =	ssyncadd.s32 $0xFFFFF060  }
0xe7: {  	_ =	swait.ge [sflag:s18], $0xFA0  }
0xe8: {  	[sflag:s18] =	ssyncset.done $0x0  }
0xe9: {  	[sflag:s18] =	ssyncadd.s32 $0xFFFFF060  }
0xea: {  	_ =	swait.ge [sflag:s18], $0xFA0  }
0xeb: {  	s25 =	sadd.s32 $0xBB8, s23;
	[sflag:s18] =	ssyncset.done $0x0  }
0xec: {  	s24 =	simm.s32 $0x0;
	s26 =	sadd.s32 s3, s25;
	[sflag:s18] =	ssyncadd.s32 $0xFFFFF060  }
0xed: {  	[tilespmem:s11], [sflag:$0x1] =	stream.linear.gather [hbm4b:s26+s24], $0xFA0, $0x38;
	[tilespmem:$0x16000] =	vst v63  }
0xee: {  	s31 =	sadd.s32 s1, s25  }
0xef: {  	[tilespmem:s12], [sflag:$0x1] =	stream.linear.gather [hbm4b:s31+s24], $0xFA0, $0x38;
	[tilespmem:$0x16000] =	vst v63  }
0xf0: {  	s25 =	sadd.s32 s5, s25  }
0xf1: {  	[tilespmem:s13], [sflag:$0x1] =	stream.linear.gather [hbm4b:s25+s24], $0xFA0, $0x38;
	[tilespmem:$0x16000] =	vst v63  }
.LBB2_13:
0xf2: {  	s25 =	sshra.s32 s24, $0x2  }
0xf3: {  	v2 =	vld [tilespmem:s25+$0x11000]  }
0xf4: {  	v3 =	vld [tilespmem:s25+$0x13000];
	_ =	sdelay $0x3  }
0xf5: {  	v4 =	vsub.s32 v2, v0  }
0xf6: {  	v6 =	vshll.u32 v3, $0x3;
	v5 =	vshll.u32 v4, $0xA  }
0xf7: {  	v2 =	vshll.u32 v2, $0x7;
	v6 =	vand.u32 $0xFFFFFC00, v6;
	v5 =	vand.u32 $0xFFFFE000, v5  }
0xf8: {  	v2 =	vand.u32 $0x380, v2;
	v5 =	vadd.s32 v6, v5  }
0xf9: {  	v3 =	vand.u32 $0x7F, v3;
	vm0 =	vlt.u32 v4, v1;
	v2 =	vor.u32 v2, v5  }
0xfa: {  	v59 =	vld [tilespmem:s25+$0x15000];
	v2 =	vor.u32 v3, v2;
	_ =	sdelay $0x4  }
0xfb: {  	[tilespmem:v2+s2+$0x0] =	vst.idx.msk vm0, v59  }
0xfc: {  	v2 =	vld [tilespmem:s25+$0x11010]  }
0xfd: {  	v3 =	vld [tilespmem:s25+$0x13010];
	_ =	sdelay $0x3  }
0xfe: {  	v60 =	vsub.s32 v2, v0  }
0xff: {  	v62 =	vshll.u32 v3, $0x3;
	v61 =	vshll.u32 v60, $0xA  }
0x100: {  	v2 =	vshll.u32 v2, $0x7;
	v6 =	vand.u32 $0xFFFFFC00, v62;
	v5 =	vand.u32 $0xFFFFE000, v61  }
0x101: {  	v2 =	vand.u32 $0x380, v2;
	v5 =	vadd.s32 v6, v5  }
0x102: {  	v3 =	vand.u32 $0x7F, v3;
	vm15 =	vlt.u32 v60, v1;
	v2 =	vor.u32 v2, v5  }
0x103: {  	p2 =	sne.s32 s24, $0x3E00;
	v63 =	vld [tilespmem:s25+$0x15010];
	v2 =	vor.u32 v3, v2  }
.Ltmp9:
0x104: {  	_ = 	snop;
	(pc) =	sbr.rel @p2 .LBB2_13-.Ltmp9, $2  }
0x105: {  	_ =	sdelay $0x2  }
0x106: {  	s24 =	sadd.s32 $0x80, s24;
	[tilespmem:v2+s2+$0x0] =	vst.idx.msk vm15, v63  }
0x107: {  	_ =	swait.ge [sflag:s14], $0xFA0  }
0x108: {  	[sflag:s14] =	ssyncset.done $0x0  }
0x109: {  	[sflag:s14] =	ssyncadd.s32 $0xFFFFF060  }
0x10a: {  	_ =	swait.ge [sflag:s14], $0xFA0  }
0x10b: {  	[sflag:s14] =	ssyncset.done $0x0  }
0x10c: {  	[sflag:s14] =	ssyncadd.s32 $0xFFFFF060  }
0x10d: {  	_ =	swait.ge [sflag:s14], $0xFA0  }
0x10e: {  	s24 =	sadd.s32 $0xDAC, s23;
	[sflag:s14] =	ssyncset.done $0x0  }
0x10f: {  	s23 =	simm.s32 $0x0;
	s25 =	sadd.s32 s3, s24;
	[sflag:s14] =	ssyncadd.s32 $0xFFFFF060  }
0x110: {  	[tilespmem:s15], [sflag:$0x2] =	stream.linear.gather [hbm4b:s25+s23], $0xFA0, $0x38;
	[tilespmem:$0x16000] =	vst v63  }
0x111: {  	s31 =	sadd.s32 s1, s24  }
0x112: {  	[tilespmem:s16], [sflag:$0x2] =	stream.linear.gather [hbm4b:s31+s23], $0xFA0, $0x38;
	[tilespmem:$0x16000] =	vst v63  }
0x113: {  	s24 =	sadd.s32 s5, s24  }
0x114: {  	[tilespmem:s17], [sflag:$0x2] =	stream.linear.gather [hbm4b:s24+s23], $0xFA0, $0x38;
	[tilespmem:$0x16000] =	vst v63  }
.LBB2_15:
0x115: {  	s24 =	sshra.s32 s23, $0x2  }
0x116: {  	v2 =	vld [tilespmem:s24+$0x10000]  }
0x117: {  	v3 =	vld [tilespmem:s24+$0x12000];
	_ =	sdelay $0x3  }
0x118: {  	v4 =	vsub.s32 v2, v0  }
0x119: {  	v6 =	vshll.u32 v3, $0x3;
	v5 =	vshll.u32 v4, $0xA  }
0x11a: {  	v2 =	vshll.u32 v2, $0x7;
	v6 =	vand.u32 $0xFFFFFC00, v6;
	v5 =	vand.u32 $0xFFFFE000, v5  }
0x11b: {  	v2 =	vand.u32 $0x380, v2;
	v5 =	vadd.s32 v6, v5  }
0x11c: {  	v3 =	vand.u32 $0x7F, v3;
	vm0 =	vlt.u32 v4, v1;
	v2 =	vor.u32 v2, v5  }
0x11d: {  	v59 =	vld [tilespmem:s24+$0x14000];
	v2 =	vor.u32 v3, v2;
	_ =	sdelay $0x4  }
0x11e: {  	[tilespmem:v2+s2+$0x0] =	vst.idx.msk vm0, v59  }
0x11f: {  	v2 =	vld [tilespmem:s24+$0x10010]  }
0x120: {  	v3 =	vld [tilespmem:s24+$0x12010];
	_ =	sdelay $0x3  }
0x121: {  	v60 =	vsub.s32 v2, v0  }
0x122: {  	v62 =	vshll.u32 v3, $0x3;
	v61 =	vshll.u32 v60, $0xA  }
0x123: {  	v2 =	vshll.u32 v2, $0x7;
	v6 =	vand.u32 $0xFFFFFC00, v62;
	v5 =	vand.u32 $0xFFFFE000, v61  }
0x124: {  	v2 =	vand.u32 $0x380, v2;
	v5 =	vadd.s32 v6, v5  }
0x125: {  	v3 =	vand.u32 $0x7F, v3;
	vm15 =	vlt.u32 v60, v1;
	v2 =	vor.u32 v2, v5  }
0x126: {  	p2 =	sne.s32 s23, $0x3E00;
	v63 =	vld [tilespmem:s24+$0x14010];
	v2 =	vor.u32 v3, v2  }
.Ltmp10:
0x127: {  	_ = 	snop;
	(pc) =	sbr.rel @p2 .LBB2_15-.Ltmp10, $2  }
0x128: {  	_ =	sdelay $0x2  }
0x129: {  	s23 =	sadd.s32 $0x80, s23;
	[tilespmem:v2+s2+$0x0] =	vst.idx.msk vm15, v63  }
0x12a: {  	_ =	swait.ge [sflag:s18], $0xFA0  }
0x12b: {  	[sflag:s18] =	ssyncset.done $0x0  }
0x12c: {  	[sflag:s18] =	ssyncadd.s32 $0xFFFFF060  }
0x12d: {  	_ =	swait.ge [sflag:s18], $0xFA0  }
0x12e: {  	[sflag:s18] =	ssyncset.done $0x0  }
0x12f: {  	[sflag:s18] =	ssyncadd.s32 $0xFFFFF060  }
0x130: {  	_ =	swait.ge [sflag:s18], $0xFA0  }
0x131: {  	[sflag:s18] =	ssyncset.done $0x0  }
0x132: {  	s23 =	simm.s32 $0x0;
	[sflag:s18] =	ssyncadd.s32 $0xFFFFF060  }
.LBB2_17:
0x133: {  	s24 =	sshra.s32 s23, $0x2  }
0x134: {  	v2 =	vld [tilespmem:s24+$0x11000]  }
0x135: {  	v3 =	vld [tilespmem:s24+$0x13000];
	_ =	sdelay $0x3  }
0x136: {  	v4 =	vsub.s32 v2, v0  }
0x137: {  	v6 =	vshll.u32 v3, $0x3;
	v5 =	vshll.u32 v4, $0xA  }
0x138: {  	v2 =	vshll.u32 v2, $0x7;
	v6 =	vand.u32 $0xFFFFFC00, v6;
	v5 =	vand.u32 $0xFFFFE000, v5  }
0x139: {  	v2 =	vand.u32 $0x380, v2;
	v5 =	vadd.s32 v6, v5  }
0x13a: {  	v3 =	vand.u32 $0x7F, v3;
	vm0 =	vlt.u32 v4, v1;
	v2 =	vor.u32 v2, v5  }
0x13b: {  	v59 =	vld [tilespmem:s24+$0x15000];
	v2 =	vor.u32 v3, v2;
	_ =	sdelay $0x4  }
0x13c: {  	[tilespmem:v2+s2+$0x0] =	vst.idx.msk vm0, v59  }
0x13d: {  	v2 =	vld [tilespmem:s24+$0x11010]  }
0x13e: {  	v3 =	vld [tilespmem:s24+$0x13010];
	_ =	sdelay $0x3  }
0x13f: {  	v60 =	vsub.s32 v2, v0  }
0x140: {  	v62 =	vshll.u32 v3, $0x3;
	v61 =	vshll.u32 v60, $0xA  }
0x141: {  	v2 =	vshll.u32 v2, $0x7;
	v6 =	vand.u32 $0xFFFFFC00, v62;
	v5 =	vand.u32 $0xFFFFE000, v61  }
0x142: {  	v2 =	vand.u32 $0x380, v2;
	v5 =	vadd.s32 v6, v5  }
0x143: {  	v3 =	vand.u32 $0x7F, v3;
	vm15 =	vlt.u32 v60, v1;
	v2 =	vor.u32 v2, v5  }
0x144: {  	p2 =	sne.s32 s23, $0x3E00;
	v63 =	vld [tilespmem:s24+$0x15010];
	v2 =	vor.u32 v3, v2  }
.Ltmp11:
0x145: {  	_ = 	snop;
	(pc) =	sbr.rel @p2 .LBB2_17-.Ltmp11, $2  }
0x146: {  	_ =	sdelay $0x2  }
0x147: {  	s23 =	sadd.s32 $0x80, s23;
	[tilespmem:v2+s2+$0x0] =	vst.idx.msk vm15, v63  }
.Ltmp12:
0x148: {  	(pc) =	sbr.rel @p1 .LBB2_21-.Ltmp12, $3  }
0x149: {  	_ =	sdelay $0x1  }
0x14a: {  	s22 =	sshll.u32 s22, $0x7  }
0x14b: {  	s21 =	sadd.s32 $0x1, s21;
	s22 =	sadd.s32 s7, s22  }
0x14c: {  	p2 =	seq.s32 s21, $0x8  }
.Ltmp13:
0x14d: {  	_ = 	snop;
	(pc) =	sbr.rel @!p2 .LBB2_2-.Ltmp13, $2  }
0x14e: {  	_ =	sdelay $0x2  }
0x14f: {  	[hbm4b:s22+s2] =	stream.linear.scatter [tilespmem:s2], [sflag:$0x3], $0xA000, $0x38;
	[tilespmem:$0x16000] =	vst v63  }
.Ltmp14:
0x150: {  	(pc) =	sbr.rel .LBB2_23-.Ltmp14, $4  }
0x151: {  	_ = 	snop  }
0x152: {  	_ =	swait.ge [sflag:s19], $0xA000  }
0x153: {  	[sflag:s19] =	ssyncset.done $0x0  }
0x154: {  	[sflag:s19] =	ssyncadd.s32 $0xFFFF6000  }
.LBB2_24:
0x155: {  	_ =	sfence.sel $0x180000  }
0x156: {  	[bflag:$0x0] =	sbarrier.arrive $0xFFFF  }
0x157: {  	p0 =	sne.s32 s4, $0x0;
	_ =	strace $0x90000047  }
0x158: {  	s0 =	sadd.s32 @!p0 $0x100000, s0;
	[bflag:$0x2] =	sbarrier.arrive $0xFFFF  }
0x159: {  	[sflag:s0] =	ssyncadd.tile.s32 @!p0 $0x1;
	_ =	shalt  }
.Lfunc_end2:
_tile_overlayer_lowered:
.L_overlay_start_2:
0x15a: {  	(tag) =	ssettag $0x2  }
0x15b: {  	s0 =	rddreg [dreg:$0x0];
	s2 =	stileid.u32  }
0x15c: {  	s1 =	rddreg [dreg:$0x1];
	p0 =	sne.s32 s2, $0x0  }
0x15d: {  	s3 =	rddreg [dreg:$0x2];
	[bflag:$0x3] =	sbarrier.arrive $0xFFFF;
	s2 =	simm.s32 @!p0 $0x1C04  }
0x15e: {  	[timem:s3], [sflag:s2] =	dma.local @!p0 [hbm:s0], s1  }
0x15f: {  	s0 =	simm.s32 @!p0 $0x4  }
0x160: {  	_ =	swait.ge @!p0 [sflag:s0], s1  }
0x161: {  	s1 =	ssub.s32 @!p0 $0x0, s1;
	[sflag:s0] =	ssyncset.done @!p0 $0x0  }
0x162: {  	[sflag:s0] =	ssyncadd.s32 @!p0 s1  }
0x163: {  	[bflag:$0x3] =	sbarrier.arrive $0xFFFF  }
0x164: {  	_ =	shalt  }

</sc_bundles>
